<compile_context>
chip_gen: v7x
topology: tpu7x:2x2x1
jax: 0.10.2.dev20260603
libtpu: 0.0.44.dev20260713+nightly
codegen_flags: <defaults>
</compile_context>

<pallas_src>
import functools

import jax
import jax.numpy as jnp
from jax import lax
from jax.experimental import pallas as pl
from jax.experimental.pallas import tpu as pltpu
from jax.experimental.pallas import tpu_sc as plsc

B = 2048
K = 2
D = 1024
H = 4096
E = 8
P = B * K
BT = 128
TMAX = P // BT + E
PMAX = TMAX * BT
HBLK = 1024
HB = H // HBLK

RR, RC = 32, 128
Q = E * RR

NUM_SC_WORKERS = 32
PAIRS_PER_WORKER = P // NUM_SC_WORKERS
SC_CHUNK = 64


def _routing_body(idx_ref, slot_ref, texp_ref):
    f32 = jnp.float32
    idxf = idx_ref[...]
    idx_tiled = jnp.concatenate([idxf] * E, axis=0)
    q0 = lax.broadcasted_iota(jnp.int32, (Q, 1), 0)
    e_of_q = q0 // RR
    oh = (idx_tiled == e_of_q).astype(f32)

    a = lax.broadcasted_iota(jnp.int32, (RC, RC), 0)
    b = lax.broadcasted_iota(jnp.int32, (RC, RC), 1)
    upper = (a < b).astype(f32)
    pre = jnp.dot(oh, upper, preferred_element_type=f32)

    rowsum = jnp.dot(oh, jnp.ones((RC, 1), f32),
                     preferred_element_type=f32)

    qa = lax.broadcasted_iota(jnp.int32, (Q, Q), 0)
    qb = lax.broadcasted_iota(jnp.int32, (Q, Q), 1)
    same_e = (qa // RR) == (qb // RR)
    row_lt = same_e & ((qa % RR) > (qb % RR))
    rowpref = jnp.dot(row_lt.astype(f32), rowsum,
                      preferred_element_type=f32)
    countv = jnp.dot(same_e.astype(f32), rowsum,
                     preferred_element_type=f32)
    tilesv = jnp.floor((countv + (BT - 1)) * (1.0 / BT))
    blk_lt = (qa // RR) > (qb // RR)
    basetile = jnp.dot(blk_lt.astype(f32), tilesv,
                       preferred_element_type=f32) * (1.0 / RR)
    slotmat = basetile * BT + rowpref + pre

    acc = jnp.zeros((RR, RC), f32)
    for e in range(E):
        sl = slice(e * RR, (e + 1) * RR)
        acc = acc + oh[sl, :] * slotmat[sl, :]
    slot_ref[...] = acc.astype(jnp.int32)

    endv = basetile + tilesv
    tio = lax.broadcasted_iota(jnp.int32, (1, 128), 1).astype(f32)
    cmp = (endv <= tio).astype(f32)
    nb = jnp.dot(jnp.ones((1, Q), f32), cmp,
                 preferred_element_type=f32) * (1.0 / RR)
    texp_ref[...] = jnp.minimum(nb, E - 1).astype(jnp.int32)


def _routing_call(idx_rs):
    return pl.pallas_call(
        _routing_body,
        out_shape=(
            jax.ShapeDtypeStruct((RR, RC), jnp.int32),
            jax.ShapeDtypeStruct((1, 128), jnp.int32),
        ),
    )(idx_rs)


def _dispatch_body(x_hbm, bidx_hbm, slot_hbm, xs_hbm, bidx_v, slot_v,
                   rows_v, sem):
    wid = lax.axis_index("s") * 2 + lax.axis_index("c")
    for c in range(PAIRS_PER_WORKER // SC_CHUNK):
        base = wid * PAIRS_PER_WORKER + c * SC_CHUNK
        pltpu.sync_copy(bidx_hbm.at[pl.ds(base, SC_CHUNK)], bidx_v)
        pltpu.sync_copy(slot_hbm.at[pl.ds(base, SC_CHUNK)], slot_v)
        pltpu.async_copy(x_hbm.at[bidx_v], rows_v, sem).wait()
        pltpu.async_copy(rows_v, xs_hbm.at[slot_v], sem).wait()


def _dispatch_call(x, bidx, slot_flat):
    mesh = plsc.VectorSubcoreMesh(core_axis_name="c", subcore_axis_name="s")
    k = pl.kernel(
        _dispatch_body,
        out_type=jax.ShapeDtypeStruct((PMAX, D), jnp.float32),
        mesh=mesh,
        scratch_types=[
            pltpu.VMEM((SC_CHUNK,), jnp.int32),
            pltpu.VMEM((SC_CHUNK,), jnp.int32),
            pltpu.VMEM((SC_CHUNK, D), jnp.float32),
            pltpu.SemaphoreType.DMA,
        ],
    )
    return k(x, bidx, slot_flat)


def _gather_body(y_hbm, slot_hbm, yg_hbm, slot_v, rows_v, sem):
    wid = lax.axis_index("s") * 2 + lax.axis_index("c")
    for c in range(PAIRS_PER_WORKER // SC_CHUNK):
        base = wid * PAIRS_PER_WORKER + c * SC_CHUNK
        pltpu.sync_copy(slot_hbm.at[pl.ds(base, SC_CHUNK)], slot_v)
        pltpu.async_copy(y_hbm.at[slot_v], rows_v, sem).wait()
        pltpu.sync_copy(rows_v, yg_hbm.at[pl.ds(base, SC_CHUNK)])


def _gather_call(y, slot_flat):
    mesh = plsc.VectorSubcoreMesh(core_axis_name="c", subcore_axis_name="s")
    k = pl.kernel(
        _gather_body,
        out_type=jax.ShapeDtypeStruct((P, D), jnp.float32),
        mesh=mesh,
        scratch_types=[
            pltpu.VMEM((SC_CHUNK,), jnp.int32),
            pltpu.VMEM((SC_CHUNK, D), jnp.float32),
            pltpu.SemaphoreType.DMA,
        ],
    )
    return k(y, slot_flat)


def _gelu_exact(h):
    return 0.5 * h * (1.0 + lax.erf(h * 0.7071067811865476))


def _gemm_body(texp_ref, xs_ref, w1_ref, b1_ref, w2_ref, b2_ref, out_ref):
    hb = pl.program_id(0)
    t = pl.program_id(1)
    rows = pl.ds(t * BT, BT)

    h = jnp.dot(xs_ref[...], w1_ref[0],
                precision=lax.Precision.DEFAULT,
                preferred_element_type=jnp.float32)
    h = h + b1_ref[0]
    g = _gelu_exact(h)
    acc = jnp.dot(g, w2_ref[0],
                  precision=lax.Precision.DEFAULT,
                  preferred_element_type=jnp.float32)

    @pl.when(hb == 0)
    def _():
        out_ref[rows, :] = acc + b2_ref[0]

    @pl.when(hb != 0)
    def _():
        out_ref[rows, :] += acc


def _gemm_call(texp, xs, W1, b1, W2, b2):
    spec = pltpu.PrefetchScalarGridSpec(
        num_scalar_prefetch=1,
        grid=(HB, TMAX),
        in_specs=[
            pl.BlockSpec((BT, D), lambda hb, t, texp: (t, 0)),
            pl.BlockSpec((1, D, HBLK), lambda hb, t, texp: (texp[t], 0, hb)),
            pl.BlockSpec((1, 1, HBLK),
                         lambda hb, t, texp: (texp[t] * HB + hb, 0, 0)),
            pl.BlockSpec((1, HBLK, D), lambda hb, t, texp: (texp[t], hb, 0)),
            pl.BlockSpec((1, 1, D), lambda hb, t, texp: (texp[t], 0, 0)),
        ],
        out_specs=pl.BlockSpec((PMAX, D), lambda hb, t, texp: (0, 0)),
    )
    return pl.pallas_call(
        _gemm_body,
        grid_spec=spec,
        out_shape=jax.ShapeDtypeStruct((PMAX, D), jnp.float32),
    )(texp, xs, W1, b1, W2, b2)


def _combine_body(w_ref, yg_ref, out_ref):
    w = w_ref[...]
    yg = yg_ref[...]
    out_ref[...] = w[:, 0:1] * yg[:, :D] + w[:, 1:2] * yg[:, D:]


def _combine_call(w, yg2):
    nblk = 8
    bb = B // nblk
    return pl.pallas_call(
        _combine_body,
        grid=(nblk,),
        in_specs=[
            pl.BlockSpec((bb, K), lambda i: (i, 0)),
            pl.BlockSpec((bb, K * D), lambda i: (i, 0)),
        ],
        out_specs=pl.BlockSpec((bb, D), lambda i: (i, 0)),
        out_shape=jax.ShapeDtypeStruct((B, D), jnp.float32),
    )(w, yg2)


def kernel(x, uzman_indeksleri, agirliklar, W1, b1, W2, b2):
    idx = uzman_indeksleri.astype(jnp.int32)
    idx_rs = idx.reshape(RR, RC)
    slot, texp_pad = _routing_call(idx_rs)
    slot_flat = slot.reshape(P)
    texp = texp_pad.reshape(128)[:TMAX]
    bidx = jnp.arange(P, dtype=jnp.int32) // K
    xs = _dispatch_call(x, bidx, slot_flat)
    y = _gemm_call(texp, xs, W1, b1.reshape(E * HB, 1, HBLK), W2,
                   b2.reshape(E, 1, D))
    yg = _gather_call(y, slot_flat)
    yg2 = yg.reshape(B, K * D)
    out = _combine_call(agirliklar.astype(jnp.float32), yg2)
    return out

# --- scband reference (transcript-rebuilt; emitter-appended) ---
"""Pipeline reference for scband-uzman-havuzu-30030411334253 (READ-ONLY COPY).

The authoritative reference and input builder live on the scoring server;
editing this copy changes nothing except your own understanding.
"""

import jax, jax.numpy as jnp
import numpy as np

B, K, D, H, E = 2048, 2, 1024, 4096, 8

def setup_inputs(seed: int = 0) -> dict:
    key = jax.random.key(seed)
    ks = jax.random.split(key, 8)
    x = jax.random.normal(ks[0], (B, D), dtype=jnp.float32)
    uzman_indeksleri = jax.random.randint(ks[1], (B, K), 0, E, dtype=jnp.int64 if jax.config.jax_enable_x64 else jnp.int32)
    agirliklar = jax.random.uniform(ks[2], (B, K), dtype=jnp.float32)
    # Expert FFN parameters: Linear(D->H), GELU, Dropout(eval: identity), Linear(H->D)
    W1 = jax.random.normal(ks[3], (E, D, H), dtype=jnp.float32) * 0.02
    b1 = jnp.zeros((E, H), dtype=jnp.float32)
    W2 = jax.random.normal(ks[4], (E, H, D), dtype=jnp.float32) * 0.02
    b2 = jnp.zeros((E, D), dtype=jnp.float32)
    return {"x": x, "uzman_indeksleri": uzman_indeksleri, "agirliklar": agirliklar,
            "W1": W1, "b1": b1, "W2": W2, "b2": b2}

def reference(x, uzman_indeksleri, agirliklar, W1, b1, W2, b2):
    # Faithful to UzmanHavuzu.forward (eval mode, all experts active):
    # output[b] = sum_k agirliklar[b,k] * expert_{idx[b,k]}(x[b])
    # expert_e(v) = W2_e^T gelu(W1_e^T v + b1_e) + b2_e  (torch GELU = exact erf)
    n_exp = W1.shape[0]
    h = jnp.einsum('bd,edh->beh', x, W1) + b1[None, :, :]
    h = jax.nn.gelu(h, approximate=False)
    y = jnp.einsum('beh,ehd->bed', h, W2) + b2[None, :, :]
    onehot = jax.nn.one_hot(uzman_indeksleri, n_exp, dtype=x.dtype)  # [B,K,E]
    comb = jnp.einsum('bk,bke->be', agirliklar, onehot)              # per-expert weight per token
    out = jnp.einsum('be,bed->bd', comb, y)
    return out

if __name__ == "__main__":
    import jax
    _d = setup_inputs()
    print(jax.jit(kernel)(*tuple(_d.values())))

</pallas_src>

<mosaic_0001>
#map = affine_map<(d0, d1) -> (0, 0)>
#map1 = affine_map<(d0, d1) -> (0)>
module attributes {stable_mosaic.version = 14 : i64} {
  func.func @_dispatch_body(%arg0: i32, %arg1: i32, %arg2: memref<2048x1024xf32, #tpu.memory_space<hbm>>, %arg3: memref<4096xi32, #tpu.memory_space<hbm>>, %arg4: memref<4096xi32, #tpu.memory_space<hbm>>, %arg5: memref<5120x1024xf32, #tpu.memory_space<hbm>>, %arg6: memref<64xi32, #tpu.memory_space<vmem>>, %arg7: memref<64xi32, #tpu.memory_space<vmem>>, %arg8: memref<64x1024xf32, #tpu.memory_space<vmem>>, %arg9: memref<!tpu.dma_semaphore, #tpu.memory_space<semaphore_mem>>) attributes {dimension_semantics = [#tpu.dimension_semantics<core_parallel>, #tpu.dimension_semantics<subcore_parallel>], iteration_bounds = array<i64: 2, 16>, scalar_prefetch = 0 : i64, scratch_operands = 4 : i64, tpu.core_type = #tpu.core_type<sc_vector_subcore>, window_params = [{transform_indices = #map}, {transform_indices = #map1}, {transform_indices = #map1}, {transform_indices = #map}]} {
    %mul3A = arith.constant 2 : i32
    %mul3A_0 = arith.muli %arg1, %mul3A : i32
    %add3A = arith.addi %mul3A_0, %arg0 : i32
    %mul3A_1 = arith.constant 128 : i32
    %mul3A_2 = arith.muli %add3A, %mul3A_1 : i32
    %add3A_3 = arith.constant 0 : i32
    %add3A_4 = arith.addi %mul3A_2, %add3A_3 : i32
    "tpu.region"() ({
      %run_scoped3A = tpu.sem_alloc : memref<!tpu.dma_semaphore, #tpu.memory_space<semaphore_mem>>
      %dma_start3A_31 = tpu.memref_slice %arg3[%add3A_4] : memref<4096xi32, #tpu.memory_space<hbm>> -> memref<64xi32, #tpu.memory_space<hbm>>
      %dma_start3A_32 = tpu.memref_slice %arg3[%add3A_4] : memref<4096xi32, #tpu.memory_space<hbm>> -> memref<64xi32, #tpu.memory_space<hbm>>
      tpu.enqueue_dma source(%dma_start3A_32 : memref<64xi32, #tpu.memory_space<hbm>>) target(%arg6 : memref<64xi32, #tpu.memory_space<vmem>>) target_semaphore(%run_scoped3A : memref<!tpu.dma_semaphore, #tpu.memory_space<semaphore_mem>>)
      %dma_wait3A_33 = tpu.memref_slice %arg3[%add3A_4] : memref<4096xi32, #tpu.memory_space<hbm>> -> memref<64xi32, #tpu.memory_space<hbm>>
      %dma_wait3A_34 = tpu.memref_slice %arg3[%add3A_4] : memref<4096xi32, #tpu.memory_space<hbm>> -> memref<64xi32, #tpu.memory_space<hbm>>
      tpu.wait_dma2 semaphore(%run_scoped3A : memref<!tpu.dma_semaphore, #tpu.memory_space<semaphore_mem>>) src(%dma_wait3A_34 : memref<64xi32, #tpu.memory_space<hbm>>) dst(%arg6 : memref<64xi32, #tpu.memory_space<vmem>>)
      tpu.yield
    }) : () -> ()
    "tpu.region"() ({
      %run_scoped3A = tpu.sem_alloc : memref<!tpu.dma_semaphore, #tpu.memory_space<semaphore_mem>>
      %dma_start3A_31 = tpu.memref_slice %arg4[%add3A_4] : memref<4096xi32, #tpu.memory_space<hbm>> -> memref<64xi32, #tpu.memory_space<hbm>>
      %dma_start3A_32 = tpu.memref_slice %arg4[%add3A_4] : memref<4096xi32, #tpu.memory_space<hbm>> -> memref<64xi32, #tpu.memory_space<hbm>>
      tpu.enqueue_dma source(%dma_start3A_32 : memref<64xi32, #tpu.memory_space<hbm>>) target(%arg7 : memref<64xi32, #tpu.memory_space<vmem>>) target_semaphore(%run_scoped3A : memref<!tpu.dma_semaphore, #tpu.memory_space<semaphore_mem>>)
      %dma_wait3A_33 = tpu.memref_slice %arg4[%add3A_4] : memref<4096xi32, #tpu.memory_space<hbm>> -> memref<64xi32, #tpu.memory_space<hbm>>
      %dma_wait3A_34 = tpu.memref_slice %arg4[%add3A_4] : memref<4096xi32, #tpu.memory_space<hbm>> -> memref<64xi32, #tpu.memory_space<hbm>>
      tpu.wait_dma2 semaphore(%run_scoped3A : memref<!tpu.dma_semaphore, #tpu.memory_space<semaphore_mem>>) src(%dma_wait3A_34 : memref<64xi32, #tpu.memory_space<hbm>>) dst(%arg7 : memref<64xi32, #tpu.memory_space<vmem>>)
      tpu.yield
    }) : () -> ()
    %dma_start3A = arith.constant 0 : i32
    %dma_start3A_5 = arith.constant 0 : i32
    %dma_start3A_6 = tpu.memref_slice %arg2[%dma_start3A, %dma_start3A_5] : memref<2048x1024xf32, #tpu.memory_space<hbm>> -> memref<2048x1024xf32, #tpu.memory_space<hbm>>
    tpu.enqueue_indirect_dma source(%dma_start3A_6 : memref<2048x1024xf32, #tpu.memory_space<hbm>>) target(%arg8 : memref<64x1024xf32, #tpu.memory_space<vmem>>) offsets(%arg6 : memref<64xi32, #tpu.memory_space<vmem>>) semaphore(%arg9 : memref<!tpu.dma_semaphore, #tpu.memory_space<semaphore_mem>>)
    %dma_wait3A = arith.constant 0 : i32
    %dma_wait3A_7 = arith.constant 0 : i32
    %dma_wait3A_8 = tpu.memref_slice %arg2[%dma_wait3A, %dma_wait3A_7] : memref<2048x1024xf32, #tpu.memory_space<hbm>> -> memref<2048x1024xf32, #tpu.memory_space<hbm>>
    tpu.wait_indirect_dma semaphore(%arg9 : memref<!tpu.dma_semaphore, #tpu.memory_space<semaphore_mem>>) src(%dma_wait3A_8 : memref<2048x1024xf32, #tpu.memory_space<hbm>>) dst(%arg8 : memref<64x1024xf32, #tpu.memory_space<vmem>>)
    %dma_start3A_9 = arith.constant 0 : i32
    %dma_start3A_10 = arith.constant 0 : i32
    %dma_start3A_11 = tpu.memref_slice %arg5[%dma_start3A_9, %dma_start3A_10] : memref<5120x1024xf32, #tpu.memory_space<hbm>> -> memref<5120x1024xf32, #tpu.memory_space<hbm>>
    tpu.enqueue_indirect_dma source(%arg8 : memref<64x1024xf32, #tpu.memory_space<vmem>>) target(%dma_start3A_11 : memref<5120x1024xf32, #tpu.memory_space<hbm>>) offsets(%arg7 : memref<64xi32, #tpu.memory_space<vmem>>) semaphore(%arg9 : memref<!tpu.dma_semaphore, #tpu.memory_space<semaphore_mem>>)
    %dma_wait3A_12 = arith.constant 0 : i32
    %dma_wait3A_13 = arith.constant 0 : i32
    %dma_wait3A_14 = tpu.memref_slice %arg5[%dma_wait3A_12, %dma_wait3A_13] : memref<5120x1024xf32, #tpu.memory_space<hbm>> -> memref<5120x1024xf32, #tpu.memory_space<hbm>>
    tpu.wait_indirect_dma semaphore(%arg9 : memref<!tpu.dma_semaphore, #tpu.memory_space<semaphore_mem>>) src(%arg8 : memref<64x1024xf32, #tpu.memory_space<vmem>>) dst(%dma_wait3A_14 : memref<5120x1024xf32, #tpu.memory_space<hbm>>)
    %mul3A_15 = arith.constant 128 : i32
    %mul3A_16 = arith.muli %add3A, %mul3A_15 : i32
    %add3A_17 = arith.constant 64 : i32
    %add3A_18 = arith.addi %mul3A_16, %add3A_17 : i32
    "tpu.region"() ({
      %run_scoped3A = tpu.sem_alloc : memref<!tpu.dma_semaphore, #tpu.memory_space<semaphore_mem>>
      %dma_start3A_31 = tpu.memref_slice %arg3[%add3A_18] : memref<4096xi32, #tpu.memory_space<hbm>> -> memref<64xi32, #tpu.memory_space<hbm>>
      %dma_start3A_32 = tpu.memref_slice %arg3[%add3A_18] : memref<4096xi32, #tpu.memory_space<hbm>> -> memref<64xi32, #tpu.memory_space<hbm>>
      tpu.enqueue_dma source(%dma_start3A_32 : memref<64xi32, #tpu.memory_space<hbm>>) target(%arg6 : memref<64xi32, #tpu.memory_space<vmem>>) target_semaphore(%run_scoped3A : memref<!tpu.dma_semaphore, #tpu.memory_space<semaphore_mem>>)
      %dma_wait3A_33 = tpu.memref_slice %arg3[%add3A_18] : memref<4096xi32, #tpu.memory_space<hbm>> -> memref<64xi32, #tpu.memory_space<hbm>>
      %dma_wait3A_34 = tpu.memref_slice %arg3[%add3A_18] : memref<4096xi32, #tpu.memory_space<hbm>> -> memref<64xi32, #tpu.memory_space<hbm>>
      tpu.wait_dma2 semaphore(%run_scoped3A : memref<!tpu.dma_semaphore, #tpu.memory_space<semaphore_mem>>) src(%dma_wait3A_34 : memref<64xi32, #tpu.memory_space<hbm>>) dst(%arg6 : memref<64xi32, #tpu.memory_space<vmem>>)
      tpu.yield
    }) : () -> ()
    "tpu.region"() ({
      %run_scoped3A = tpu.sem_alloc : memref<!tpu.dma_semaphore, #tpu.memory_space<semaphore_mem>>
      %dma_start3A_31 = tpu.memref_slice %arg4[%add3A_18] : memref<4096xi32, #tpu.memory_space<hbm>> -> memref<64xi32, #tpu.memory_space<hbm>>
      %dma_start3A_32 = tpu.memref_slice %arg4[%add3A_18] : memref<4096xi32, #tpu.memory_space<hbm>> -> memref<64xi32, #tpu.memory_space<hbm>>
      tpu.enqueue_dma source(%dma_start3A_32 : memref<64xi32, #tpu.memory_space<hbm>>) target(%arg7 : memref<64xi32, #tpu.memory_space<vmem>>) target_semaphore(%run_scoped3A : memref<!tpu.dma_semaphore, #tpu.memory_space<semaphore_mem>>)
      %dma_wait3A_33 = tpu.memref_slice %arg4[%add3A_18] : memref<4096xi32, #tpu.memory_space<hbm>> -> memref<64xi32, #tpu.memory_space<hbm>>
      %dma_wait3A_34 = tpu.memref_slice %arg4[%add3A_18] : memref<4096xi32, #tpu.memory_space<hbm>> -> memref<64xi32, #tpu.memory_space<hbm>>
      tpu.wait_dma2 semaphore(%run_scoped3A : memref<!tpu.dma_semaphore, #tpu.memory_space<semaphore_mem>>) src(%dma_wait3A_34 : memref<64xi32, #tpu.memory_space<hbm>>) dst(%arg7 : memref<64xi32, #tpu.memory_space<vmem>>)
      tpu.yield
    }) : () -> ()
    %dma_start3A_19 = arith.constant 0 : i32
    %dma_start3A_20 = arith.constant 0 : i32
    %dma_start3A_21 = tpu.memref_slice %arg2[%dma_start3A_19, %dma_start3A_20] : memref<2048x1024xf32, #tpu.memory_space<hbm>> -> memref<2048x1024xf32, #tpu.memory_space<hbm>>
    tpu.enqueue_indirect_dma source(%dma_start3A_21 : memref<2048x1024xf32, #tpu.memory_space<hbm>>) target(%arg8 : memref<64x1024xf32, #tpu.memory_space<vmem>>) offsets(%arg6 : memref<64xi32, #tpu.memory_space<vmem>>) semaphore(%arg9 : memref<!tpu.dma_semaphore, #tpu.memory_space<semaphore_mem>>)
    %dma_wait3A_22 = arith.constant 0 : i32
    %dma_wait3A_23 = arith.constant 0 : i32
    %dma_wait3A_24 = tpu.memref_slice %arg2[%dma_wait3A_22, %dma_wait3A_23] : memref<2048x1024xf32, #tpu.memory_space<hbm>> -> memref<2048x1024xf32, #tpu.memory_space<hbm>>
    tpu.wait_indirect_dma semaphore(%arg9 : memref<!tpu.dma_semaphore, #tpu.memory_space<semaphore_mem>>) src(%dma_wait3A_24 : memref<2048x1024xf32, #tpu.memory_space<hbm>>) dst(%arg8 : memref<64x1024xf32, #tpu.memory_space<vmem>>)
    %dma_start3A_25 = arith.constant 0 : i32
    %dma_start3A_26 = arith.constant 0 : i32
    %dma_start3A_27 = tpu.memref_slice %arg5[%dma_start3A_25, %dma_start3A_26] : memref<5120x1024xf32, #tpu.memory_space<hbm>> -> memref<5120x1024xf32, #tpu.memory_space<hbm>>
    tpu.enqueue_indirect_dma source(%arg8 : memref<64x1024xf32, #tpu.memory_space<vmem>>) target(%dma_start3A_27 : memref<5120x1024xf32, #tpu.memory_space<hbm>>) offsets(%arg7 : memref<64xi32, #tpu.memory_space<vmem>>) semaphore(%arg9 : memref<!tpu.dma_semaphore, #tpu.memory_space<semaphore_mem>>)
    %dma_wait3A_28 = arith.constant 0 : i32
    %dma_wait3A_29 = arith.constant 0 : i32
    %dma_wait3A_30 = tpu.memref_slice %arg5[%dma_wait3A_28, %dma_wait3A_29] : memref<5120x1024xf32, #tpu.memory_space<hbm>> -> memref<5120x1024xf32, #tpu.memory_space<hbm>>
    tpu.wait_indirect_dma semaphore(%arg9 : memref<!tpu.dma_semaphore, #tpu.memory_space<semaphore_mem>>) src(%arg8 : memref<64x1024xf32, #tpu.memory_space<vmem>>) dst(%dma_wait3A_30 : memref<5120x1024xf32, #tpu.memory_space<hbm>>)
    return
  }
}

#map = affine_map<(d0, d1) -> (0, 0)>
#map1 = affine_map<(d0, d1) -> (0)>
module attributes {stable_mosaic.version = 14 : i64} {
  func.func @_gather_body(%arg0: i32, %arg1: i32, %arg2: memref<5120x1024xf32, #tpu.memory_space<hbm>>, %arg3: memref<4096xi32, #tpu.memory_space<hbm>>, %arg4: memref<4096x1024xf32, #tpu.memory_space<hbm>>, %arg5: memref<64xi32, #tpu.memory_space<vmem>>, %arg6: memref<64x1024xf32, #tpu.memory_space<vmem>>, %arg7: memref<!tpu.dma_semaphore, #tpu.memory_space<semaphore_mem>>) attributes {dimension_semantics = [#tpu.dimension_semantics<core_parallel>, #tpu.dimension_semantics<subcore_parallel>], iteration_bounds = array<i64: 2, 16>, scalar_prefetch = 0 : i64, scratch_operands = 3 : i64, tpu.core_type = #tpu.core_type<sc_vector_subcore>, window_params = [{transform_indices = #map}, {transform_indices = #map1}, {transform_indices = #map}]} {
    %mul3A = arith.constant 2 : i32
    %mul3A_0 = arith.muli %arg1, %mul3A : i32
    %add3A = arith.addi %mul3A_0, %arg0 : i32
    %mul3A_1 = arith.constant 128 : i32
    %mul3A_2 = arith.muli %add3A, %mul3A_1 : i32
    %add3A_3 = arith.constant 0 : i32
    %add3A_4 = arith.addi %mul3A_2, %add3A_3 : i32
    "tpu.region"() ({
      %run_scoped3A = tpu.sem_alloc : memref<!tpu.dma_semaphore, #tpu.memory_space<semaphore_mem>>
      %dma_start3A_19 = tpu.memref_slice %arg3[%add3A_4] : memref<4096xi32, #tpu.memory_space<hbm>> -> memref<64xi32, #tpu.memory_space<hbm>>
      %dma_start3A_20 = tpu.memref_slice %arg3[%add3A_4] : memref<4096xi32, #tpu.memory_space<hbm>> -> memref<64xi32, #tpu.memory_space<hbm>>
      tpu.enqueue_dma source(%dma_start3A_20 : memref<64xi32, #tpu.memory_space<hbm>>) target(%arg5 : memref<64xi32, #tpu.memory_space<vmem>>) target_semaphore(%run_scoped3A : memref<!tpu.dma_semaphore, #tpu.memory_space<semaphore_mem>>)
      %dma_wait3A_21 = tpu.memref_slice %arg3[%add3A_4] : memref<4096xi32, #tpu.memory_space<hbm>> -> memref<64xi32, #tpu.memory_space<hbm>>
      %dma_wait3A_22 = tpu.memref_slice %arg3[%add3A_4] : memref<4096xi32, #tpu.memory_space<hbm>> -> memref<64xi32, #tpu.memory_space<hbm>>
      tpu.wait_dma2 semaphore(%run_scoped3A : memref<!tpu.dma_semaphore, #tpu.memory_space<semaphore_mem>>) src(%dma_wait3A_22 : memref<64xi32, #tpu.memory_space<hbm>>) dst(%arg5 : memref<64xi32, #tpu.memory_space<vmem>>)
      tpu.yield
    }) : () -> ()
    %dma_start3A = arith.constant 0 : i32
    %dma_start3A_5 = arith.constant 0 : i32
    %dma_start3A_6 = tpu.memref_slice %arg2[%dma_start3A, %dma_start3A_5] : memref<5120x1024xf32, #tpu.memory_space<hbm>> -> memref<5120x1024xf32, #tpu.memory_space<hbm>>
    tpu.enqueue_indirect_dma source(%dma_start3A_6 : memref<5120x1024xf32, #tpu.memory_space<hbm>>) target(%arg6 : memref<64x1024xf32, #tpu.memory_space<vmem>>) offsets(%arg5 : memref<64xi32, #tpu.memory_space<vmem>>) semaphore(%arg7 : memref<!tpu.dma_semaphore, #tpu.memory_space<semaphore_mem>>)
    %dma_wait3A = arith.constant 0 : i32
    %dma_wait3A_7 = arith.constant 0 : i32
    %dma_wait3A_8 = tpu.memref_slice %arg2[%dma_wait3A, %dma_wait3A_7] : memref<5120x1024xf32, #tpu.memory_space<hbm>> -> memref<5120x1024xf32, #tpu.memory_space<hbm>>
    tpu.wait_indirect_dma semaphore(%arg7 : memref<!tpu.dma_semaphore, #tpu.memory_space<semaphore_mem>>) src(%dma_wait3A_8 : memref<5120x1024xf32, #tpu.memory_space<hbm>>) dst(%arg6 : memref<64x1024xf32, #tpu.memory_space<vmem>>)
    "tpu.region"() ({
      %run_scoped3A = tpu.sem_alloc : memref<!tpu.dma_semaphore, #tpu.memory_space<semaphore_mem>>
      %dma_start3A_19 = arith.constant 0 : i32
      %dma_start3A_20 = tpu.memref_slice %arg4[%add3A_4, %dma_start3A_19] : memref<4096x1024xf32, #tpu.memory_space<hbm>> -> memref<64x1024xf32, #tpu.memory_space<hbm>>
      %dma_start3A_21 = arith.constant 0 : i32
      %dma_start3A_22 = tpu.memref_slice %arg4[%add3A_4, %dma_start3A_21] : memref<4096x1024xf32, #tpu.memory_space<hbm>> -> memref<64x1024xf32, #tpu.memory_space<hbm>>
      tpu.enqueue_dma source(%arg6 : memref<64x1024xf32, #tpu.memory_space<vmem>>) target(%dma_start3A_22 : memref<64x1024xf32, #tpu.memory_space<hbm>>) target_semaphore(%run_scoped3A : memref<!tpu.dma_semaphore, #tpu.memory_space<semaphore_mem>>)
      %dma_wait3A_23 = arith.constant 0 : i32
      %dma_wait3A_24 = tpu.memref_slice %arg4[%add3A_4, %dma_wait3A_23] : memref<4096x1024xf32, #tpu.memory_space<hbm>> -> memref<64x1024xf32, #tpu.memory_space<hbm>>
      %dma_wait3A_25 = arith.constant 0 : i32
      %dma_wait3A_26 = tpu.memref_slice %arg4[%add3A_4, %dma_wait3A_25] : memref<4096x1024xf32, #tpu.memory_space<hbm>> -> memref<64x1024xf32, #tpu.memory_space<hbm>>
      tpu.wait_dma2 semaphore(%run_scoped3A : memref<!tpu.dma_semaphore, #tpu.memory_space<semaphore_mem>>) src(%arg6 : memref<64x1024xf32, #tpu.memory_space<vmem>>) dst(%dma_wait3A_26 : memref<64x1024xf32, #tpu.memory_space<hbm>>)
      tpu.yield
    }) : () -> ()
    %mul3A_9 = arith.constant 128 : i32
    %mul3A_10 = arith.muli %add3A, %mul3A_9 : i32
    %add3A_11 = arith.constant 64 : i32
    %add3A_12 = arith.addi %mul3A_10, %add3A_11 : i32
    "tpu.region"() ({
      %run_scoped3A = tpu.sem_alloc : memref<!tpu.dma_semaphore, #tpu.memory_space<semaphore_mem>>
      %dma_start3A_19 = tpu.memref_slice %arg3[%add3A_12] : memref<4096xi32, #tpu.memory_space<hbm>> -> memref<64xi32, #tpu.memory_space<hbm>>
      %dma_start3A_20 = tpu.memref_slice %arg3[%add3A_12] : memref<4096xi32, #tpu.memory_space<hbm>> -> memref<64xi32, #tpu.memory_space<hbm>>
      tpu.enqueue_dma source(%dma_start3A_20 : memref<64xi32, #tpu.memory_space<hbm>>) target(%arg5 : memref<64xi32, #tpu.memory_space<vmem>>) target_semaphore(%run_scoped3A : memref<!tpu.dma_semaphore, #tpu.memory_space<semaphore_mem>>)
      %dma_wait3A_21 = tpu.memref_slice %arg3[%add3A_12] : memref<4096xi32, #tpu.memory_space<hbm>> -> memref<64xi32, #tpu.memory_space<hbm>>
      %dma_wait3A_22 = tpu.memref_slice %arg3[%add3A_12] : memref<4096xi32, #tpu.memory_space<hbm>> -> memref<64xi32, #tpu.memory_space<hbm>>
      tpu.wait_dma2 semaphore(%run_scoped3A : memref<!tpu.dma_semaphore, #tpu.memory_space<semaphore_mem>>) src(%dma_wait3A_22 : memref<64xi32, #tpu.memory_space<hbm>>) dst(%arg5 : memref<64xi32, #tpu.memory_space<vmem>>)
      tpu.yield
    }) : () -> ()
    %dma_start3A_13 = arith.constant 0 : i32
    %dma_start3A_14 = arith.constant 0 : i32
    %dma_start3A_15 = tpu.memref_slice %arg2[%dma_start3A_13, %dma_start3A_14] : memref<5120x1024xf32, #tpu.memory_space<hbm>> -> memref<5120x1024xf32, #tpu.memory_space<hbm>>
    tpu.enqueue_indirect_dma source(%dma_start3A_15 : memref<5120x1024xf32, #tpu.memory_space<hbm>>) target(%arg6 : memref<64x1024xf32, #tpu.memory_space<vmem>>) offsets(%arg5 : memref<64xi32, #tpu.memory_space<vmem>>) semaphore(%arg7 : memref<!tpu.dma_semaphore, #tpu.memory_space<semaphore_mem>>)
    %dma_wait3A_16 = arith.constant 0 : i32
    %dma_wait3A_17 = arith.constant 0 : i32
    %dma_wait3A_18 = tpu.memref_slice %arg2[%dma_wait3A_16, %dma_wait3A_17] : memref<5120x1024xf32, #tpu.memory_space<hbm>> -> memref<5120x1024xf32, #tpu.memory_space<hbm>>
    tpu.wait_indirect_dma semaphore(%arg7 : memref<!tpu.dma_semaphore, #tpu.memory_space<semaphore_mem>>) src(%dma_wait3A_18 : memref<5120x1024xf32, #tpu.memory_space<hbm>>) dst(%arg6 : memref<64x1024xf32, #tpu.memory_space<vmem>>)
    "tpu.region"() ({
      %run_scoped3A = tpu.sem_alloc : memref<!tpu.dma_semaphore, #tpu.memory_space<semaphore_mem>>
      %dma_start3A_19 = arith.constant 0 : i32
      %dma_start3A_20 = tpu.memref_slice %arg4[%add3A_12, %dma_start3A_19] : memref<4096x1024xf32, #tpu.memory_space<hbm>> -> memref<64x1024xf32, #tpu.memory_space<hbm>>
      %dma_start3A_21 = arith.constant 0 : i32
      %dma_start3A_22 = tpu.memref_slice %arg4[%add3A_12, %dma_start3A_21] : memref<4096x1024xf32, #tpu.memory_space<hbm>> -> memref<64x1024xf32, #tpu.memory_space<hbm>>
      tpu.enqueue_dma source(%arg6 : memref<64x1024xf32, #tpu.memory_space<vmem>>) target(%dma_start3A_22 : memref<64x1024xf32, #tpu.memory_space<hbm>>) target_semaphore(%run_scoped3A : memref<!tpu.dma_semaphore, #tpu.memory_space<semaphore_mem>>)
      %dma_wait3A_23 = arith.constant 0 : i32
      %dma_wait3A_24 = tpu.memref_slice %arg4[%add3A_12, %dma_wait3A_23] : memref<4096x1024xf32, #tpu.memory_space<hbm>> -> memref<64x1024xf32, #tpu.memory_space<hbm>>
      %dma_wait3A_25 = arith.constant 0 : i32
      %dma_wait3A_26 = tpu.memref_slice %arg4[%add3A_12, %dma_wait3A_25] : memref<4096x1024xf32, #tpu.memory_space<hbm>> -> memref<64x1024xf32, #tpu.memory_space<hbm>>
      tpu.wait_dma2 semaphore(%run_scoped3A : memref<!tpu.dma_semaphore, #tpu.memory_space<semaphore_mem>>) src(%arg6 : memref<64x1024xf32, #tpu.memory_space<vmem>>) dst(%dma_wait3A_26 : memref<64x1024xf32, #tpu.memory_space<hbm>>)
      tpu.yield
    }) : () -> ()
    return
  }
}

module attributes {stable_mosaic.version = 14 : i64} {
  func.func @_routing_body(%arg0: memref<32x128xi32, #tpu.memory_space<vmem>>, %arg1: memref<32x128xi32, #tpu.memory_space<vmem>>, %arg2: memref<1x128xi32, #tpu.memory_space<vmem>>) attributes {dimension_semantics = [], scalar_prefetch = 0 : i64, scratch_operands = 0 : i64, tpu.core_type = #tpu.core_type<tc>} {
    %get3A = arith.constant 0 : index
    %get3A_0 = arith.constant 0 : index
    %get3A_1 = vector.load %arg0[%get3A, %get3A_0] : memref<32x128xi32, #tpu.memory_space<vmem>>, vector<32x128xi32>
    %concatenate3A = tpu.concatenate %get3A_1, %get3A_1, %get3A_1, %get3A_1, %get3A_1, %get3A_1, %get3A_1, %get3A_1 in 0 : vector<32x128xi32>, vector<32x128xi32>, vector<32x128xi32>, vector<32x128xi32>, vector<32x128xi32>, vector<32x128xi32>, vector<32x128xi32>, vector<32x128xi32> -> vector<256x128xi32>
    %iota3A = tpu.iota {dimensions = array<i32: 0>} : vector<256x1xi32>
    %jit3A = arith.constant 32 : i32
    %div3A = vector.broadcast %jit3A : i32 to vector<256x1xi32>
    %div3A_2 = arith.divsi %iota3A, %div3A : vector<256x1xi32>
    %sign3A = arith.constant 0 : i32
    %sign3A_3 = vector.broadcast %sign3A : i32 to vector<256x1xi32>
    %sign3A_4 = arith.cmpi sgt, %iota3A, %sign3A_3 : vector<256x1xi32>
    %sign3A_5 = arith.extui %sign3A_4 : vector<256x1xi1> to vector<256x1xi32>
    %sign3A_6 = arith.constant 0 : i32
    %sign3A_7 = vector.broadcast %sign3A_6 : i32 to vector<256x1xi32>
    %sign3A_8 = arith.cmpi slt, %iota3A, %sign3A_7 : vector<256x1xi32>
    %sign3A_9 = arith.extui %sign3A_8 : vector<256x1xi1> to vector<256x1xi32>
    %sign3A_10 = arith.subi %sign3A_5, %sign3A_9 : vector<256x1xi32>
    %sign3A_11 = arith.constant 0 : i32
    %sign3A_12 = arith.cmpi sgt, %jit3A, %sign3A_11 : i32
    %sign3A_13 = arith.extui %sign3A_12 : i1 to i32
    %sign3A_14 = arith.constant 0 : i32
    %sign3A_15 = arith.cmpi slt, %jit3A, %sign3A_14 : i32
    %sign3A_16 = arith.extui %sign3A_15 : i1 to i32
    %sign3A_17 = arith.subi %sign3A_13, %sign3A_16 : i32
    %ne3A = vector.broadcast %sign3A_17 : i32 to vector<256x1xi32>
    %ne3A_18 = arith.cmpi ne, %sign3A_10, %ne3A : vector<256x1xi32>
    %rem3A = vector.broadcast %jit3A : i32 to vector<256x1xi32>
    %rem3A_19 = arith.remsi %iota3A, %rem3A : vector<256x1xi32>
    %ne3A_20 = arith.constant 0 : i32
    %ne3A_21 = vector.broadcast %ne3A_20 : i32 to vector<256x1xi32>
    %ne3A_22 = arith.cmpi ne, %rem3A_19, %ne3A_21 : vector<256x1xi32>
    %and3A = arith.andi %ne3A_18, %ne3A_22 : vector<256x1xi1>
    %sub3A = arith.constant 1 : i32
    %sub3A_23 = vector.broadcast %sub3A : i32 to vector<256x1xi32>
    %sub3A_24 = arith.subi %div3A_2, %sub3A_23 : vector<256x1xi32>
    %select_n3A = arith.select %and3A, %sub3A_24, %div3A_2 : vector<256x1xi1>, vector<256x1xi32>
    %eq3A = vector.broadcast %select_n3A : vector<256x1xi32> to vector<256x128xi32>
    %eq3A_25 = arith.cmpi eq, %concatenate3A, %eq3A : vector<256x128xi32>
    %convert_element_type3A = arith.extui %eq3A_25 : vector<256x128xi1> to vector<256x128xi32>
    %convert_element_type3A_26 = arith.sitofp %convert_element_type3A : vector<256x128xi32> to vector<256x128xf32>
    %iota3A_27 = tpu.iota {dimensions = array<i32: 0>} : vector<128x128xi32>
    %iota3A_28 = tpu.iota {dimensions = array<i32: 1>} : vector<128x128xi32>
    %lt3A = arith.cmpi slt, %iota3A_27, %iota3A_28 : vector<128x128xi32>
    %convert_element_type3A_29 = arith.extui %lt3A : vector<128x128xi1> to vector<128x128xi32>
    %convert_element_type3A_30 = arith.sitofp %convert_element_type3A_29 : vector<128x128xi32> to vector<128x128xf32>
    %dot_general3A = arith.constant dense<0.000000e+00> : vector<256x128xf32>
    %dot_general3A_31 = tpu.matmul %convert_element_type3A_26, %convert_element_type3A_30, %dot_general3A {dimension_numbers = #tpu.dot_dimension_numbers<[1], [0], [0], [1], [0, 0, 1, 1], [], []>, transpose_lhs_hint = false} : vector<256x128xf32>, vector<128x128xf32>, vector<256x128xf32> -> vector<256x128xf32>
    %broadcast_in_dim3A = arith.constant 1.000000e+00 : f32
    %broadcast_in_dim3A_32 = vector.broadcast %broadcast_in_dim3A : f32 to vector<128x1xf32>
    %dot_general3A_33 = arith.constant dense<0.000000e+00> : vector<256x1xf32>
    %dot_general3A_34 = tpu.matmul %convert_element_type3A_26, %broadcast_in_dim3A_32, %dot_general3A_33 {dimension_numbers = #tpu.dot_dimension_numbers<[1], [0], [0], [1], [0, 0, 1, 1], [], []>, transpose_lhs_hint = false} : vector<256x128xf32>, vector<128x1xf32>, vector<256x1xf32> -> vector<256x1xf32>
    %iota3A_35 = tpu.iota {dimensions = array<i32: 0>} : vector<256x256xi32>
    %iota3A_36 = tpu.iota {dimensions = array<i32: 1>} : vector<256x256xi32>
    %jit3A_37 = arith.constant 32 : i32
    %div3A_38 = vector.broadcast %jit3A_37 : i32 to vector<256x256xi32>
    %div3A_39 = arith.divsi %iota3A_35, %div3A_38 : vector<256x256xi32>
    %sign3A_40 = arith.constant 0 : i32
    %sign3A_41 = vector.broadcast %sign3A_40 : i32 to vector<256x256xi32>
    %sign3A_42 = arith.cmpi sgt, %iota3A_35, %sign3A_41 : vector<256x256xi32>
    %sign3A_43 = arith.extui %sign3A_42 : vector<256x256xi1> to vector<256x256xi32>
    %sign3A_44 = arith.constant 0 : i32
    %sign3A_45 = vector.broadcast %sign3A_44 : i32 to vector<256x256xi32>
    %sign3A_46 = arith.cmpi slt, %iota3A_35, %sign3A_45 : vector<256x256xi32>
    %sign3A_47 = arith.extui %sign3A_46 : vector<256x256xi1> to vector<256x256xi32>
    %sign3A_48 = arith.subi %sign3A_43, %sign3A_47 : vector<256x256xi32>
    %sign3A_49 = arith.constant 0 : i32
    %sign3A_50 = arith.cmpi sgt, %jit3A_37, %sign3A_49 : i32
    %sign3A_51 = arith.extui %sign3A_50 : i1 to i32
    %sign3A_52 = arith.constant 0 : i32
    %sign3A_53 = arith.cmpi slt, %jit3A_37, %sign3A_52 : i32
    %sign3A_54 = arith.extui %sign3A_53 : i1 to i32
    %sign3A_55 = arith.subi %sign3A_51, %sign3A_54 : i32
    %ne3A_56 = vector.broadcast %sign3A_55 : i32 to vector<256x256xi32>
    %ne3A_57 = arith.cmpi ne, %sign3A_48, %ne3A_56 : vector<256x256xi32>
    %rem3A_58 = vector.broadcast %jit3A_37 : i32 to vector<256x256xi32>
    %rem3A_59 = arith.remsi %iota3A_35, %rem3A_58 : vector<256x256xi32>
    %ne3A_60 = arith.constant 0 : i32
    %ne3A_61 = vector.broadcast %ne3A_60 : i32 to vector<256x256xi32>
    %ne3A_62 = arith.cmpi ne, %rem3A_59, %ne3A_61 : vector<256x256xi32>
    %and3A_63 = arith.andi %ne3A_57, %ne3A_62 : vector<256x256xi1>
    %sub3A_64 = arith.constant 1 : i32
    %sub3A_65 = vector.broadcast %sub3A_64 : i32 to vector<256x256xi32>
    %sub3A_66 = arith.subi %div3A_39, %sub3A_65 : vector<256x256xi32>
    %select_n3A_67 = arith.select %and3A_63, %sub3A_66, %div3A_39 : vector<256x256xi1>, vector<256x256xi32>
    %jit3A_68 = arith.constant 32 : i32
    %div3A_69 = vector.broadcast %jit3A_68 : i32 to vector<256x256xi32>
    %div3A_70 = arith.divsi %iota3A_36, %div3A_69 : vector<256x256xi32>
    %sign3A_71 = arith.constant 0 : i32
    %sign3A_72 = vector.broadcast %sign3A_71 : i32 to vector<256x256xi32>
    %sign3A_73 = arith.cmpi sgt, %iota3A_36, %sign3A_72 : vector<256x256xi32>
    %sign3A_74 = arith.extui %sign3A_73 : vector<256x256xi1> to vector<256x256xi32>
    %sign3A_75 = arith.constant 0 : i32
    %sign3A_76 = vector.broadcast %sign3A_75 : i32 to vector<256x256xi32>
    %sign3A_77 = arith.cmpi slt, %iota3A_36, %sign3A_76 : vector<256x256xi32>
    %sign3A_78 = arith.extui %sign3A_77 : vector<256x256xi1> to vector<256x256xi32>
    %sign3A_79 = arith.subi %sign3A_74, %sign3A_78 : vector<256x256xi32>
    %sign3A_80 = arith.constant 0 : i32
    %sign3A_81 = arith.cmpi sgt, %jit3A_68, %sign3A_80 : i32
    %sign3A_82 = arith.extui %sign3A_81 : i1 to i32
    %sign3A_83 = arith.constant 0 : i32
    %sign3A_84 = arith.cmpi slt, %jit3A_68, %sign3A_83 : i32
    %sign3A_85 = arith.extui %sign3A_84 : i1 to i32
    %sign3A_86 = arith.subi %sign3A_82, %sign3A_85 : i32
    %ne3A_87 = vector.broadcast %sign3A_86 : i32 to vector<256x256xi32>
    %ne3A_88 = arith.cmpi ne, %sign3A_79, %ne3A_87 : vector<256x256xi32>
    %rem3A_89 = vector.broadcast %jit3A_68 : i32 to vector<256x256xi32>
    %rem3A_90 = arith.remsi %iota3A_36, %rem3A_89 : vector<256x256xi32>
    %ne3A_91 = arith.constant 0 : i32
    %ne3A_92 = vector.broadcast %ne3A_91 : i32 to vector<256x256xi32>
    %ne3A_93 = arith.cmpi ne, %rem3A_90, %ne3A_92 : vector<256x256xi32>
    %and3A_94 = arith.andi %ne3A_88, %ne3A_93 : vector<256x256xi1>
    %sub3A_95 = arith.constant 1 : i32
    %sub3A_96 = vector.broadcast %sub3A_95 : i32 to vector<256x256xi32>
    %sub3A_97 = arith.subi %div3A_70, %sub3A_96 : vector<256x256xi32>
    %select_n3A_98 = arith.select %and3A_94, %sub3A_97, %div3A_70 : vector<256x256xi1>, vector<256x256xi32>
    %eq3A_99 = arith.cmpi eq, %select_n3A_67, %select_n3A_98 : vector<256x256xi32>
    %jit3A_100 = arith.constant 32 : i32
    %eq3A_101 = arith.constant 0 : i32
    %eq3A_102 = arith.cmpi eq, %jit3A_100, %eq3A_101 : i32
    %jit3A_103 = arith.constant 1 : i32
    %select_n3A_104 = arith.select %eq3A_102, %jit3A_103, %jit3A_100 : i32
    %rem3A_105 = vector.broadcast %select_n3A_104 : i32 to vector<256x256xi32>
    %rem3A_106 = arith.remsi %iota3A_35, %rem3A_105 : vector<256x256xi32>
    %ne3A_107 = arith.constant 0 : i32
    %ne3A_108 = vector.broadcast %ne3A_107 : i32 to vector<256x256xi32>
    %ne3A_109 = arith.cmpi ne, %rem3A_106, %ne3A_108 : vector<256x256xi32>
    %lt3A_110 = arith.constant 0 : i32
    %lt3A_111 = vector.broadcast %lt3A_110 : i32 to vector<256x256xi32>
    %lt3A_112 = arith.cmpi slt, %rem3A_106, %lt3A_111 : vector<256x256xi32>
    %lt3A_113 = arith.constant 0 : i32
    %lt3A_114 = arith.cmpi slt, %select_n3A_104, %lt3A_113 : i32
    %ne3A_115 = vector.broadcast %lt3A_114 : i1 to vector<256x256xi1>
    %ne3A_116 = vector.broadcast %ne3A_115 : vector<256x256xi1> to vector<256x256xi1>
    %ne3A_117 = arith.xori %lt3A_112, %ne3A_116 : vector<256x256xi1>
    %and3A_118 = arith.andi %ne3A_117, %ne3A_109 : vector<256x256xi1>
    %add3A = vector.broadcast %select_n3A_104 : i32 to vector<256x256xi32>
    %add3A_119 = arith.addi %rem3A_106, %add3A : vector<256x256xi32>
    %select_n3A_120 = arith.select %and3A_118, %add3A_119, %rem3A_106 : vector<256x256xi1>, vector<256x256xi32>
    %jit3A_121 = arith.constant 32 : i32
    %eq3A_122 = arith.constant 0 : i32
    %eq3A_123 = arith.cmpi eq, %jit3A_121, %eq3A_122 : i32
    %jit3A_124 = arith.constant 1 : i32
    %select_n3A_125 = arith.select %eq3A_123, %jit3A_124, %jit3A_121 : i32
    %rem3A_126 = vector.broadcast %select_n3A_125 : i32 to vector<256x256xi32>
    %rem3A_127 = arith.remsi %iota3A_36, %rem3A_126 : vector<256x256xi32>
    %ne3A_128 = arith.constant 0 : i32
    %ne3A_129 = vector.broadcast %ne3A_128 : i32 to vector<256x256xi32>
    %ne3A_130 = arith.cmpi ne, %rem3A_127, %ne3A_129 : vector<256x256xi32>
    %lt3A_131 = arith.constant 0 : i32
    %lt3A_132 = vector.broadcast %lt3A_131 : i32 to vector<256x256xi32>
    %lt3A_133 = arith.cmpi slt, %rem3A_127, %lt3A_132 : vector<256x256xi32>
    %lt3A_134 = arith.constant 0 : i32
    %lt3A_135 = arith.cmpi slt, %select_n3A_125, %lt3A_134 : i32
    %ne3A_136 = vector.broadcast %lt3A_135 : i1 to vector<256x256xi1>
    %ne3A_137 = vector.broadcast %ne3A_136 : vector<256x256xi1> to vector<256x256xi1>
    %ne3A_138 = arith.xori %lt3A_133, %ne3A_137 : vector<256x256xi1>
    %and3A_139 = arith.andi %ne3A_138, %ne3A_130 : vector<256x256xi1>
    %add3A_140 = vector.broadcast %select_n3A_125 : i32 to vector<256x256xi32>
    %add3A_141 = arith.addi %rem3A_127, %add3A_140 : vector<256x256xi32>
    %select_n3A_142 = arith.select %and3A_139, %add3A_141, %rem3A_127 : vector<256x256xi1>, vector<256x256xi32>
    %gt3A = arith.cmpi sgt, %select_n3A_120, %select_n3A_142 : vector<256x256xi32>
    %and3A_143 = arith.andi %eq3A_99, %gt3A : vector<256x256xi1>
    %convert_element_type3A_144 = arith.extui %and3A_143 : vector<256x256xi1> to vector<256x256xi32>
    %convert_element_type3A_145 = arith.sitofp %convert_element_type3A_144 : vector<256x256xi32> to vector<256x256xf32>
    %dot_general3A_146 = arith.constant dense<0.000000e+00> : vector<256x1xf32>
    %dot_general3A_147 = tpu.matmul %convert_element_type3A_145, %dot_general3A_34, %dot_general3A_146 {dimension_numbers = #tpu.dot_dimension_numbers<[1], [0], [0], [1], [0, 0, 1, 1], [], []>, transpose_lhs_hint = false} : vector<256x256xf32>, vector<256x1xf32>, vector<256x1xf32> -> vector<256x1xf32>
    %convert_element_type3A_148 = arith.extui %eq3A_99 : vector<256x256xi1> to vector<256x256xi32>
    %convert_element_type3A_149 = arith.sitofp %convert_element_type3A_148 : vector<256x256xi32> to vector<256x256xf32>
    %dot_general3A_150 = arith.constant dense<0.000000e+00> : vector<256x1xf32>
    %dot_general3A_151 = tpu.matmul %convert_element_type3A_149, %dot_general3A_34, %dot_general3A_150 {dimension_numbers = #tpu.dot_dimension_numbers<[1], [0], [0], [1], [0, 0, 1, 1], [], []>, transpose_lhs_hint = false} : vector<256x256xf32>, vector<256x1xf32>, vector<256x1xf32> -> vector<256x1xf32>
    %add3A_152 = arith.constant 1.270000e+02 : f32
    %add3A_153 = vector.broadcast %add3A_152 : f32 to vector<256x1xf32>
    %add3A_154 = arith.addf %dot_general3A_151, %add3A_153 : vector<256x1xf32>
    %mul3A = arith.constant 7.812500e-03 : f32
    %mul3A_155 = vector.broadcast %mul3A : f32 to vector<256x1xf32>
    %mul3A_156 = arith.mulf %add3A_154, %mul3A_155 : vector<256x1xf32>
    %floor3A = math.floor %mul3A_156 : vector<256x1xf32>
    %jit3A_157 = arith.constant 32 : i32
    %div3A_158 = vector.broadcast %jit3A_157 : i32 to vector<256x256xi32>
    %div3A_159 = arith.divsi %iota3A_35, %div3A_158 : vector<256x256xi32>
    %sign3A_160 = arith.constant 0 : i32
    %sign3A_161 = vector.broadcast %sign3A_160 : i32 to vector<256x256xi32>
    %sign3A_162 = arith.cmpi sgt, %iota3A_35, %sign3A_161 : vector<256x256xi32>
    %sign3A_163 = arith.extui %sign3A_162 : vector<256x256xi1> to vector<256x256xi32>
    %sign3A_164 = arith.constant 0 : i32
    %sign3A_165 = vector.broadcast %sign3A_164 : i32 to vector<256x256xi32>
    %sign3A_166 = arith.cmpi slt, %iota3A_35, %sign3A_165 : vector<256x256xi32>
    %sign3A_167 = arith.extui %sign3A_166 : vector<256x256xi1> to vector<256x256xi32>
    %sign3A_168 = arith.subi %sign3A_163, %sign3A_167 : vector<256x256xi32>
    %sign3A_169 = arith.constant 0 : i32
    %sign3A_170 = arith.cmpi sgt, %jit3A_157, %sign3A_169 : i32
    %sign3A_171 = arith.extui %sign3A_170 : i1 to i32
    %sign3A_172 = arith.constant 0 : i32
    %sign3A_173 = arith.cmpi slt, %jit3A_157, %sign3A_172 : i32
    %sign3A_174 = arith.extui %sign3A_173 : i1 to i32
    %sign3A_175 = arith.subi %sign3A_171, %sign3A_174 : i32
    %ne3A_176 = vector.broadcast %sign3A_175 : i32 to vector<256x256xi32>
    %ne3A_177 = arith.cmpi ne, %sign3A_168, %ne3A_176 : vector<256x256xi32>
    %rem3A_178 = vector.broadcast %jit3A_157 : i32 to vector<256x256xi32>
    %rem3A_179 = arith.remsi %iota3A_35, %rem3A_178 : vector<256x256xi32>
    %ne3A_180 = arith.constant 0 : i32
    %ne3A_181 = vector.broadcast %ne3A_180 : i32 to vector<256x256xi32>
    %ne3A_182 = arith.cmpi ne, %rem3A_179, %ne3A_181 : vector<256x256xi32>
    %and3A_183 = arith.andi %ne3A_177, %ne3A_182 : vector<256x256xi1>
    %sub3A_184 = arith.constant 1 : i32
    %sub3A_185 = vector.broadcast %sub3A_184 : i32 to vector<256x256xi32>
    %sub3A_186 = arith.subi %div3A_159, %sub3A_185 : vector<256x256xi32>
    %select_n3A_187 = arith.select %and3A_183, %sub3A_186, %div3A_159 : vector<256x256xi1>, vector<256x256xi32>
    %jit3A_188 = arith.constant 32 : i32
    %div3A_189 = vector.broadcast %jit3A_188 : i32 to vector<256x256xi32>
    %div3A_190 = arith.divsi %iota3A_36, %div3A_189 : vector<256x256xi32>
    %sign3A_191 = arith.constant 0 : i32
    %sign3A_192 = vector.broadcast %sign3A_191 : i32 to vector<256x256xi32>
    %sign3A_193 = arith.cmpi sgt, %iota3A_36, %sign3A_192 : vector<256x256xi32>
    %sign3A_194 = arith.extui %sign3A_193 : vector<256x256xi1> to vector<256x256xi32>
    %sign3A_195 = arith.constant 0 : i32
    %sign3A_196 = vector.broadcast %sign3A_195 : i32 to vector<256x256xi32>
    %sign3A_197 = arith.cmpi slt, %iota3A_36, %sign3A_196 : vector<256x256xi32>
    %sign3A_198 = arith.extui %sign3A_197 : vector<256x256xi1> to vector<256x256xi32>
    %sign3A_199 = arith.subi %sign3A_194, %sign3A_198 : vector<256x256xi32>
    %sign3A_200 = arith.constant 0 : i32
    %sign3A_201 = arith.cmpi sgt, %jit3A_188, %sign3A_200 : i32
    %sign3A_202 = arith.extui %sign3A_201 : i1 to i32
    %sign3A_203 = arith.constant 0 : i32
    %sign3A_204 = arith.cmpi slt, %jit3A_188, %sign3A_203 : i32
    %sign3A_205 = arith.extui %sign3A_204 : i1 to i32
    %sign3A_206 = arith.subi %sign3A_202, %sign3A_205 : i32
    %ne3A_207 = vector.broadcast %sign3A_206 : i32 to vector<256x256xi32>
    %ne3A_208 = arith.cmpi ne, %sign3A_199, %ne3A_207 : vector<256x256xi32>
    %rem3A_209 = vector.broadcast %jit3A_188 : i32 to vector<256x256xi32>
    %rem3A_210 = arith.remsi %iota3A_36, %rem3A_209 : vector<256x256xi32>
    %ne3A_211 = arith.constant 0 : i32
    %ne3A_212 = vector.broadcast %ne3A_211 : i32 to vector<256x256xi32>
    %ne3A_213 = arith.cmpi ne, %rem3A_210, %ne3A_212 : vector<256x256xi32>
    %and3A_214 = arith.andi %ne3A_208, %ne3A_213 : vector<256x256xi1>
    %sub3A_215 = arith.constant 1 : i32
    %sub3A_216 = vector.broadcast %sub3A_215 : i32 to vector<256x256xi32>
    %sub3A_217 = arith.subi %div3A_190, %sub3A_216 : vector<256x256xi32>
    %select_n3A_218 = arith.select %and3A_214, %sub3A_217, %div3A_190 : vector<256x256xi1>, vector<256x256xi32>
    %gt3A_219 = arith.cmpi sgt, %select_n3A_187, %select_n3A_218 : vector<256x256xi32>
    %convert_element_type3A_220 = arith.extui %gt3A_219 : vector<256x256xi1> to vector<256x256xi32>
    %convert_element_type3A_221 = arith.sitofp %convert_element_type3A_220 : vector<256x256xi32> to vector<256x256xf32>
    %dot_general3A_222 = arith.constant dense<0.000000e+00> : vector<256x1xf32>
    %dot_general3A_223 = tpu.matmul %convert_element_type3A_221, %floor3A, %dot_general3A_222 {dimension_numbers = #tpu.dot_dimension_numbers<[1], [0], [0], [1], [0, 0, 1, 1], [], []>, transpose_lhs_hint = false} : vector<256x256xf32>, vector<256x1xf32>, vector<256x1xf32> -> vector<256x1xf32>
    %mul3A_224 = arith.constant 3.125000e-02 : f32
    %mul3A_225 = vector.broadcast %mul3A_224 : f32 to vector<256x1xf32>
    %mul3A_226 = arith.mulf %dot_general3A_223, %mul3A_225 : vector<256x1xf32>
    %mul3A_227 = arith.constant 1.280000e+02 : f32
    %mul3A_228 = vector.broadcast %mul3A_227 : f32 to vector<256x1xf32>
    %mul3A_229 = arith.mulf %mul3A_226, %mul3A_228 : vector<256x1xf32>
    %add3A_230 = arith.addf %mul3A_229, %dot_general3A_147 : vector<256x1xf32>
    %add3A_231 = vector.broadcast %add3A_230 : vector<256x1xf32> to vector<256x128xf32>
    %add3A_232 = arith.addf %add3A_231, %dot_general3A_31 : vector<256x128xf32>
    %broadcast_in_dim3A_233 = arith.constant 0.000000e+00 : f32
    %broadcast_in_dim3A_234 = vector.broadcast %broadcast_in_dim3A_233 : f32 to vector<32x128xf32>
    %slice3A = vector.extract_strided_slice %convert_element_type3A_26 {offsets = [0, 0], sizes = [32, 128], strides = [1, 1]} : vector<256x128xf32> to vector<32x128xf32>
    %slice3A_235 = vector.extract_strided_slice %add3A_232 {offsets = [0, 0], sizes = [32, 128], strides = [1, 1]} : vector<256x128xf32> to vector<32x128xf32>
    %mul3A_236 = arith.mulf %slice3A, %slice3A_235 : vector<32x128xf32>
    %add3A_237 = arith.addf %broadcast_in_dim3A_234, %mul3A_236 : vector<32x128xf32>
    %slice3A_238 = vector.extract_strided_slice %convert_element_type3A_26 {offsets = [32, 0], sizes = [32, 128], strides = [1, 1]} : vector<256x128xf32> to vector<32x128xf32>
    %slice3A_239 = vector.extract_strided_slice %add3A_232 {offsets = [32, 0], sizes = [32, 128], strides = [1, 1]} : vector<256x128xf32> to vector<32x128xf32>
    %mul3A_240 = arith.mulf %slice3A_238, %slice3A_239 : vector<32x128xf32>
    %add3A_241 = arith.addf %add3A_237, %mul3A_240 : vector<32x128xf32>
    %slice3A_242 = vector.extract_strided_slice %convert_element_type3A_26 {offsets = [64, 0], sizes = [32, 128], strides = [1, 1]} : vector<256x128xf32> to vector<32x128xf32>
    %slice3A_243 = vector.extract_strided_slice %add3A_232 {offsets = [64, 0], sizes = [32, 128], strides = [1, 1]} : vector<256x128xf32> to vector<32x128xf32>
    %mul3A_244 = arith.mulf %slice3A_242, %slice3A_243 : vector<32x128xf32>
    %add3A_245 = arith.addf %add3A_241, %mul3A_244 : vector<32x128xf32>
    %slice3A_246 = vector.extract_strided_slice %convert_element_type3A_26 {offsets = [96, 0], sizes = [32, 128], strides = [1, 1]} : vector<256x128xf32> to vector<32x128xf32>
    %slice3A_247 = vector.extract_strided_slice %add3A_232 {offsets = [96, 0], sizes = [32, 128], strides = [1, 1]} : vector<256x128xf32> to vector<32x128xf32>
    %mul3A_248 = arith.mulf %slice3A_246, %slice3A_247 : vector<32x128xf32>
    %add3A_249 = arith.addf %add3A_245, %mul3A_248 : vector<32x128xf32>
    %slice3A_250 = vector.extract_strided_slice %convert_element_type3A_26 {offsets = [128, 0], sizes = [32, 128], strides = [1, 1]} : vector<256x128xf32> to vector<32x128xf32>
    %slice3A_251 = vector.extract_strided_slice %add3A_232 {offsets = [128, 0], sizes = [32, 128], strides = [1, 1]} : vector<256x128xf32> to vector<32x128xf32>
    %mul3A_252 = arith.mulf %slice3A_250, %slice3A_251 : vector<32x128xf32>
    %add3A_253 = arith.addf %add3A_249, %mul3A_252 : vector<32x128xf32>
    %slice3A_254 = vector.extract_strided_slice %convert_element_type3A_26 {offsets = [160, 0], sizes = [32, 128], strides = [1, 1]} : vector<256x128xf32> to vector<32x128xf32>
    %slice3A_255 = vector.extract_strided_slice %add3A_232 {offsets = [160, 0], sizes = [32, 128], strides = [1, 1]} : vector<256x128xf32> to vector<32x128xf32>
    %mul3A_256 = arith.mulf %slice3A_254, %slice3A_255 : vector<32x128xf32>
    %add3A_257 = arith.addf %add3A_253, %mul3A_256 : vector<32x128xf32>
    %slice3A_258 = vector.extract_strided_slice %convert_element_type3A_26 {offsets = [192, 0], sizes = [32, 128], strides = [1, 1]} : vector<256x128xf32> to vector<32x128xf32>
    %slice3A_259 = vector.extract_strided_slice %add3A_232 {offsets = [192, 0], sizes = [32, 128], strides = [1, 1]} : vector<256x128xf32> to vector<32x128xf32>
    %mul3A_260 = arith.mulf %slice3A_258, %slice3A_259 : vector<32x128xf32>
    %add3A_261 = arith.addf %add3A_257, %mul3A_260 : vector<32x128xf32>
    %slice3A_262 = vector.extract_strided_slice %convert_element_type3A_26 {offsets = [224, 0], sizes = [32, 128], strides = [1, 1]} : vector<256x128xf32> to vector<32x128xf32>
    %slice3A_263 = vector.extract_strided_slice %add3A_232 {offsets = [224, 0], sizes = [32, 128], strides = [1, 1]} : vector<256x128xf32> to vector<32x128xf32>
    %mul3A_264 = arith.mulf %slice3A_262, %slice3A_263 : vector<32x128xf32>
    %add3A_265 = arith.addf %add3A_261, %mul3A_264 : vector<32x128xf32>
    %convert_element_type3A_266 = arith.fptosi %add3A_265 : vector<32x128xf32> to vector<32x128xi32>
    %swap3A = arith.constant 0 : index
    %swap3A_267 = arith.constant 0 : index
    %swap3A_268 = vector.load %arg1[%swap3A, %swap3A_267] : memref<32x128xi32, #tpu.memory_space<vmem>>, vector<32x128xi32>
    tpu.vector_store %arg1[%swap3A, %swap3A_267], %convert_element_type3A_266 {strides = array<i32>} : memref<32x128xi32, #tpu.memory_space<vmem>>, vector<32x128xi32>,
    %add3A_269 = arith.addf %mul3A_226, %floor3A : vector<256x1xf32>
    %iota3A_270 = tpu.iota {dimensions = array<i32: 1>} : vector<1x128xi32>
    %convert_element_type3A_271 = arith.sitofp %iota3A_270 : vector<1x128xi32> to vector<1x128xf32>
    %le3A = vector.broadcast %add3A_269 : vector<256x1xf32> to vector<256x128xf32>
    %le3A_272 = vector.broadcast %convert_element_type3A_271 : vector<1x128xf32> to vector<256x128xf32>
    %le3A_273 = arith.cmpf ole, %le3A, %le3A_272 : vector<256x128xf32>
    %convert_element_type3A_274 = arith.extui %le3A_273 : vector<256x128xi1> to vector<256x128xi32>
    %convert_element_type3A_275 = arith.sitofp %convert_element_type3A_274 : vector<256x128xi32> to vector<256x128xf32>
    %broadcast_in_dim3A_276 = arith.constant 1.000000e+00 : f32
    %broadcast_in_dim3A_277 = vector.broadcast %broadcast_in_dim3A_276 : f32 to vector<1x256xf32>
    %dot_general3A_278 = arith.constant dense<0.000000e+00> : vector<1x128xf32>
    %dot_general3A_279 = tpu.matmul %broadcast_in_dim3A_277, %convert_element_type3A_275, %dot_general3A_278 {dimension_numbers = #tpu.dot_dimension_numbers<[1], [0], [0], [1], [0, 0, 1, 1], [], []>, transpose_lhs_hint = false} : vector<1x256xf32>, vector<256x128xf32>, vector<1x128xf32> -> vector<1x128xf32>
    %mul3A_280 = arith.constant 3.125000e-02 : f32
    %mul3A_281 = vector.broadcast %mul3A_280 : f32 to vector<1x128xf32>
    %mul3A_282 = arith.mulf %dot_general3A_279, %mul3A_281 : vector<1x128xf32>
    %min3A = arith.constant 7.000000e+00 : f32
    %min3A_283 = vector.broadcast %min3A : f32 to vector<1x128xf32>
    %min3A_284 = arith.minimumf %mul3A_282, %min3A_283 : vector<1x128xf32>
    %convert_element_type3A_285 = arith.fptosi %min3A_284 : vector<1x128xf32> to vector<1x128xi32>
    %swap3A_286 = arith.constant 0 : index
    %swap3A_287 = arith.constant 0 : index
    %swap3A_288 = vector.load %arg2[%swap3A_286, %swap3A_287] : memref<1x128xi32, #tpu.memory_space<vmem>>, vector<1x128xi32>
    tpu.vector_store %arg2[%swap3A_286, %swap3A_287], %convert_element_type3A_285 {strides = array<i32>} : memref<1x128xi32, #tpu.memory_space<vmem>>, vector<1x128xi32>,
    return
  }
}

module attributes {stable_mosaic.version = 14 : i64} {
  func.func @_gemm_body(%arg0: i32, %arg1: i32, %arg2: memref<40xi32, #tpu.memory_space<smem>>, %arg3: memref<128x1024xf32, #tpu.memory_space<vmem>>, %arg4: memref<1x1024x1024xf32, #tpu.memory_space<vmem>>, %arg5: memref<1x1x1024xf32, #tpu.memory_space<vmem>>, %arg6: memref<1x1024x1024xf32, #tpu.memory_space<vmem>>, %arg7: memref<1x1x1024xf32, #tpu.memory_space<vmem>>, %arg8: memref<5120x1024xf32, #tpu.memory_space<vmem>>) attributes {dimension_semantics = [#tpu.dimension_semantics<arbitrary>, #tpu.dimension_semantics<arbitrary>], iteration_bounds = array<i64: 4, 40>, scalar_prefetch = 1 : i64, scratch_operands = 0 : i64, tpu.core_type = #tpu.core_type<tc>, window_params = [{transform_indices = @transform_0, window_bounds = array<i64: 128, 1024>}, {transform_indices = @transform_1, window_bounds = array<i64: 1, 1024, 1024>}, {transform_indices = @transform_2, window_bounds = array<i64: 1, 1, 1024>}, {transform_indices = @transform_3, window_bounds = array<i64: 1, 1024, 1024>}, {transform_indices = @transform_4, window_bounds = array<i64: 1, 1, 1024>}, {pipeline_mode = #tpu.pipeline_mode<synchronous>, transform_indices = @transform_5, window_bounds = array<i64: 5120, 1024>}]} {
    %mul3A = arith.constant 128 : i32
    %mul3A_0 = arith.muli %arg1, %mul3A : i32
    %get3A = arith.constant 0 : index
    %get3A_1 = arith.constant 0 : index
    %get3A_2 = vector.load %arg3[%get3A, %get3A_1] : memref<128x1024xf32, #tpu.memory_space<vmem>>, vector<128x1024xf32>
    %get3A_3 = arith.constant 0 : index
    %get3A_4 = arith.constant 0 : index
    %get3A_5 = arith.constant 0 : index
    %get3A_6 = vector.load %arg4[%get3A_3, %get3A_4, %get3A_5] : memref<1x1024x1024xf32, #tpu.memory_space<vmem>>, vector<1x1024x1024xf32>
    %get3A_7 = vector.shape_cast %get3A_6 : vector<1x1024x1024xf32> to vector<1024x1024xf32>
    %dot_general3A = arith.constant dense<0.000000e+00> : vector<128x1024xf32>
    %dot_general3A_8 = tpu.matmul %get3A_2, %get3A_7, %dot_general3A {dimension_numbers = #tpu.dot_dimension_numbers<[1], [0], [0], [1], [0, 0, 1, 1], [], []>, transpose_lhs_hint = false} : vector<128x1024xf32>, vector<1024x1024xf32>, vector<128x1024xf32> -> vector<128x1024xf32>
    %get3A_9 = arith.constant 0 : index
    %get3A_10 = arith.constant 0 : index
    %get3A_11 = arith.constant 0 : index
    %get3A_12 = vector.load %arg5[%get3A_9, %get3A_10, %get3A_11] : memref<1x1x1024xf32, #tpu.memory_space<vmem>>, vector<1x1x1024xf32>
    %get3A_13 = vector.shape_cast %get3A_12 : vector<1x1x1024xf32> to vector<1x1024xf32>
    %add3A = vector.broadcast %get3A_13 : vector<1x1024xf32> to vector<128x1024xf32>
    %add3A_14 = arith.addf %dot_general3A_8, %add3A : vector<128x1024xf32>
    %mul3A_15 = arith.constant 5.000000e-01 : f32
    %mul3A_16 = vector.broadcast %mul3A_15 : f32 to vector<128x1024xf32>
    %mul3A_17 = arith.mulf %mul3A_16, %add3A_14 : vector<128x1024xf32>
    %mul3A_18 = arith.constant 0.707106769 : f32
    %mul3A_19 = vector.broadcast %mul3A_18 : f32 to vector<128x1024xf32>
    %mul3A_20 = arith.mulf %add3A_14, %mul3A_19 : vector<128x1024xf32>
    %erf3A = math.erf %mul3A_20 : vector<128x1024xf32>
    %add3A_21 = arith.constant 1.000000e+00 : f32
    %add3A_22 = vector.broadcast %add3A_21 : f32 to vector<128x1024xf32>
    %add3A_23 = arith.addf %add3A_22, %erf3A : vector<128x1024xf32>
    %mul3A_24 = arith.mulf %mul3A_17, %add3A_23 : vector<128x1024xf32>
    %get3A_25 = arith.constant 0 : index
    %get3A_26 = arith.constant 0 : index
    %get3A_27 = arith.constant 0 : index
    %get3A_28 = vector.load %arg6[%get3A_25, %get3A_26, %get3A_27] : memref<1x1024x1024xf32, #tpu.memory_space<vmem>>, vector<1x1024x1024xf32>
    %get3A_29 = vector.shape_cast %get3A_28 : vector<1x1024x1024xf32> to vector<1024x1024xf32>
    %dot_general3A_30 = arith.constant dense<0.000000e+00> : vector<128x1024xf32>
    %dot_general3A_31 = tpu.matmul %mul3A_24, %get3A_29, %dot_general3A_30 {dimension_numbers = #tpu.dot_dimension_numbers<[1], [0], [0], [1], [0, 0, 1, 1], [], []>, transpose_lhs_hint = false} : vector<128x1024xf32>, vector<1024x1024xf32>, vector<128x1024xf32> -> vector<128x1024xf32>
    %eq3A = arith.constant 0 : i32
    %eq3A_32 = arith.cmpi eq, %arg0, %eq3A : i32
    %convert_element_type3A = arith.extui %eq3A_32 : i1 to i32
    %cond3A = arith.constant 0 : i32
    %cond3A_33 = arith.cmpi ne, %convert_element_type3A, %cond3A : i32
    scf.if %cond3A_33 {
      %get3A_38 = arith.constant 0 : index
      %get3A_39 = arith.constant 0 : index
      %get3A_40 = arith.constant 0 : index
      %get3A_41 = vector.load %arg7[%get3A_38, %get3A_39, %get3A_40] : memref<1x1x1024xf32, #tpu.memory_space<vmem>>, vector<1x1x1024xf32>
      %get3A_42 = vector.shape_cast %get3A_41 : vector<1x1x1024xf32> to vector<1x1024xf32>
      %add3A_43 = vector.broadcast %get3A_42 : vector<1x1024xf32> to vector<128x1024xf32>
      %add3A_44 = arith.addf %dot_general3A_31, %add3A_43 : vector<128x1024xf32>
      %swap3A = arith.index_cast %mul3A_0 : i32 to index
      %swap3A_45 = arith.constant 0 : index
      %swap3A_46 = vector.load %arg8[%swap3A, %swap3A_45] : memref<5120x1024xf32, #tpu.memory_space<vmem>>, vector<128x1024xf32>
      tpu.vector_store %arg8[%swap3A, %swap3A_45], %add3A_44 {strides = array<i32>} : memref<5120x1024xf32, #tpu.memory_space<vmem>>, vector<128x1024xf32>,
    } else {
    }
    %ne3A = arith.constant 0 : i32
    %ne3A_34 = arith.cmpi ne, %arg0, %ne3A : i32
    %convert_element_type3A_35 = arith.extui %ne3A_34 : i1 to i32
    %cond3A_36 = arith.constant 0 : i32
    %cond3A_37 = arith.cmpi ne, %convert_element_type3A_35, %cond3A_36 : i32
    scf.if %cond3A_37 {
      %get3A_38 = arith.index_cast %mul3A_0 : i32 to index
      %get3A_39 = arith.constant 0 : index
      %get3A_40 = vector.load %arg8[%get3A_38, %get3A_39] : memref<5120x1024xf32, #tpu.memory_space<vmem>>, vector<128x1024xf32>
      %add3A_41 = arith.addf %get3A_40, %dot_general3A_31 : vector<128x1024xf32>
      %swap3A = arith.index_cast %mul3A_0 : i32 to index
      %swap3A_42 = arith.constant 0 : index
      %swap3A_43 = vector.load %arg8[%swap3A, %swap3A_42] : memref<5120x1024xf32, #tpu.memory_space<vmem>>, vector<128x1024xf32>
      tpu.vector_store %arg8[%swap3A, %swap3A_42], %add3A_41 {strides = array<i32>} : memref<5120x1024xf32, #tpu.memory_space<vmem>>, vector<128x1024xf32>,
    } else {
    }
    return
  }
  func.func @transform_0(%arg0: i32, %arg1: i32, %arg2: memref<40xi32, #tpu.memory_space<smem>>) -> (i32, i32) {
    %c0_i32 = arith.constant 0 : i32
    %c0_i32_0 = arith.constant 0 : i32
    return %arg1, %c0_i32 : i32, i32
  }
  func.func @transform_1(%arg0: i32, %arg1: i32, %arg2: memref<40xi32, #tpu.memory_space<smem>>) -> (i32, i32, i32) {
    %get3A = arith.index_cast %arg1 : i32 to index
    %get3A_0 = memref.load %arg2[%get3A] : memref<40xi32, #tpu.memory_space<smem>>
    %c0_i32 = arith.constant 0 : i32
    %c0_i32_1 = arith.constant 0 : i32
    return %get3A_0, %c0_i32, %arg0 : i32, i32, i32
  }
  func.func @transform_2(%arg0: i32, %arg1: i32, %arg2: memref<40xi32, #tpu.memory_space<smem>>) -> (i32, i32, i32) {
    %get3A = arith.index_cast %arg1 : i32 to index
    %get3A_0 = memref.load %arg2[%get3A] : memref<40xi32, #tpu.memory_space<smem>>
    %mul3A = arith.constant 4 : i32
    %mul3A_1 = arith.muli %get3A_0, %mul3A : i32
    %add3A = arith.addi %mul3A_1, %arg0 : i32
    %c0_i32 = arith.constant 0 : i32
    %c0_i32_2 = arith.constant 0 : i32
    %c0_i32_3 = arith.constant 0 : i32
    return %add3A, %c0_i32, %c0_i32_2 : i32, i32, i32
  }
  func.func @transform_3(%arg0: i32, %arg1: i32, %arg2: memref<40xi32, #tpu.memory_space<smem>>) -> (i32, i32, i32) {
    %get3A = arith.index_cast %arg1 : i32 to index
    %get3A_0 = memref.load %arg2[%get3A] : memref<40xi32, #tpu.memory_space<smem>>
    %c0_i32 = arith.constant 0 : i32
    %c0_i32_1 = arith.constant 0 : i32
    return %get3A_0, %arg0, %c0_i32 : i32, i32, i32
  }
  func.func @transform_4(%arg0: i32, %arg1: i32, %arg2: memref<40xi32, #tpu.memory_space<smem>>) -> (i32, i32, i32) {
    %get3A = arith.index_cast %arg1 : i32 to index
    %get3A_0 = memref.load %arg2[%get3A] : memref<40xi32, #tpu.memory_space<smem>>
    %c0_i32 = arith.constant 0 : i32
    %c0_i32_1 = arith.constant 0 : i32
    %c0_i32_2 = arith.constant 0 : i32
    return %get3A_0, %c0_i32, %c0_i32_1 : i32, i32, i32
  }
  func.func @transform_5(%arg0: i32, %arg1: i32, %arg2: memref<40xi32, #tpu.memory_space<smem>>) -> (i32, i32) {
    %c0_i32 = arith.constant 0 : i32
    %c0_i32_0 = arith.constant 0 : i32
    %c0_i32_1 = arith.constant 0 : i32
    return %c0_i32, %c0_i32_0 : i32, i32
  }
}

module attributes {stable_mosaic.version = 14 : i64} {
  func.func @_combine_body(%arg0: i32, %arg1: memref<256x2xf32, #tpu.memory_space<vmem>>, %arg2: memref<256x2048xf32, #tpu.memory_space<vmem>>, %arg3: memref<256x1024xf32, #tpu.memory_space<vmem>>) attributes {dimension_semantics = [#tpu.dimension_semantics<arbitrary>], iteration_bounds = array<i64: 8>, scalar_prefetch = 0 : i64, scratch_operands = 0 : i64, tpu.core_type = #tpu.core_type<tc>, window_params = [{transform_indices = @transform_0, window_bounds = array<i64: 256, 2>}, {transform_indices = @transform_1, window_bounds = array<i64: 256, 2048>}, {transform_indices = @transform_2, window_bounds = array<i64: 256, 1024>}]} {
    %get3A = arith.constant 0 : index
    %get3A_0 = arith.constant 0 : index
    %get3A_1 = vector.load %arg1[%get3A, %get3A_0] : memref<256x2xf32, #tpu.memory_space<vmem>>, vector<256x2xf32>
    %get3A_2 = arith.constant 0 : index
    %get3A_3 = arith.constant 0 : index
    %get3A_4 = vector.load %arg2[%get3A_2, %get3A_3] : memref<256x2048xf32, #tpu.memory_space<vmem>>, vector<256x2048xf32>
    %slice3A = vector.extract_strided_slice %get3A_1 {offsets = [0, 0], sizes = [256, 1], strides = [1, 1]} : vector<256x2xf32> to vector<256x1xf32>
    %slice3A_5 = vector.extract_strided_slice %get3A_4 {offsets = [0, 0], sizes = [256, 1024], strides = [1, 1]} : vector<256x2048xf32> to vector<256x1024xf32>
    %mul3A = vector.broadcast %slice3A : vector<256x1xf32> to vector<256x1024xf32>
    %mul3A_6 = arith.mulf %mul3A, %slice3A_5 : vector<256x1024xf32>
    %slice3A_7 = vector.extract_strided_slice %get3A_1 {offsets = [0, 1], sizes = [256, 1], strides = [1, 1]} : vector<256x2xf32> to vector<256x1xf32>
    %slice3A_8 = vector.extract_strided_slice %get3A_4 {offsets = [0, 1024], sizes = [256, 1024], strides = [1, 1]} : vector<256x2048xf32> to vector<256x1024xf32>
    %mul3A_9 = vector.broadcast %slice3A_7 : vector<256x1xf32> to vector<256x1024xf32>
    %mul3A_10 = arith.mulf %mul3A_9, %slice3A_8 : vector<256x1024xf32>
    %add3A = arith.addf %mul3A_6, %mul3A_10 : vector<256x1024xf32>
    %swap3A = arith.constant 0 : index
    %swap3A_11 = arith.constant 0 : index
    %swap3A_12 = vector.load %arg3[%swap3A, %swap3A_11] : memref<256x1024xf32, #tpu.memory_space<vmem>>, vector<256x1024xf32>
    tpu.vector_store %arg3[%swap3A, %swap3A_11], %add3A {strides = array<i32>} : memref<256x1024xf32, #tpu.memory_space<vmem>>, vector<256x1024xf32>,
    return
  }
  func.func @transform_0(%arg0: i32) -> (i32, i32) {
    %c0_i32 = arith.constant 0 : i32
    %c0_i32_0 = arith.constant 0 : i32
    return %arg0, %c0_i32 : i32, i32
  }
  func.func @transform_1(%arg0: i32) -> (i32, i32) {
    %c0_i32 = arith.constant 0 : i32
    %c0_i32_0 = arith.constant 0 : i32
    return %arg0, %c0_i32 : i32, i32
  }
  func.func @transform_2(%arg0: i32) -> (i32, i32) {
    %c0_i32 = arith.constant 0 : i32
    %c0_i32_0 = arith.constant 0 : i32
    return %arg0, %c0_i32 : i32, i32
  }
}

</mosaic_0001>

<sc_bundles>
// kernel: kernel.10.cloned.1.call-start
scs
__scs_entry_jumppad:
0x0: {  	(pc) =	sbr.rel $0x88, $3  }
0x1: {  	(tag) =	ssettag $0x0;
	lr =	simm.s32 $0x1  }
0x2: {  	[smem:$0x3F9A] =	sst lr;
	_ =	strace $0xD0000000  }
0x3: {  	_ = 	snop  }
0x4: {  	_ = 	snop  }
0x5: {  	_ = 	snop  }
0x6: {  	_ = 	snop  }
0x7: {  	_ = 	snop  }
__scs_overlays_trampoline_lowered:
0x8: {  	[smem:$0x3FA9] =	sst s0  }
0x9: {  	[smem:$0x3FAA] =	sst s1  }
0xa: {  	[smem:$0x3FAB] =	sst s2  }
0xb: {  	[smem:$0x3FAC] =	sst s3  }
0xc: {  	[smem:$0x3FAD] =	sst s4  }
0xd: {  	[smem:$0x3FAE] =	sst s5  }
0xe: {  	[smem:$0x3FAF] =	sst s6  }
0xf: {  	[smem:$0x3FB0] =	sst s7  }
0x10: {  	[smem:$0x3FB1] =	sst s8  }
0x11: {  	[smem:$0x3FB2] =	sst s9;
	s0 =	simm.s32 @!p0 $0x0  }
0x12: {  	s1 =	sld [smem:$0x3F98];
	s0 =	simm.s32 @p0 $0x1  }
0x13: {  	[smem:$0x3FB3] =	sst s0;
	s0 =	simm.s32 @!p1 $0x0  }
0x14: {  	s2 =	sld [smem:$0x3F97];
	s0 =	simm.s32 @p1 $0x1  }
0x15: {  	[smem:$0x3FB4] =	sst s0;
	s0 =	simm.s32 @!p2 $0x0  }
0x16: {  	s3 =	sld [smem:$0x3FDB];
	s0 =	simm.s32 @p2 $0x1  }
0x17: {  	s4 =	simm.s32 $0x1BF5;
	[smem:$0x3FB6] =	sst s0  }
0x18: {  	s0 =	sld [smem:$0x3F99];
	_ =	swait.ge [sflag:s4], $0x0  }
0x19: {  	s7 =	sld [smem:$0x3F9A]  }
0x1a: {  	s8 =	sadd.s32 $0xFFFFE003, lr  }
0x1b: {  	s9 =	sadd.s32 $0xFFFFFEF7, lr;
	s5 =	simm.s32 $0xFFFFFFFF;
	p2 =	slt.u32 s8, $0xFFFFF086  }
0x1c: {  	p1 =	slt.u32 s9, $0xF7A;
	s5 =	simm.s32 @!p2 $0x0  }
0x1d: {  	s5 =	simm.s32 @p1 $0x1;
	p0 =	seq.s32 s7, s2  }
0x1e: {  	s7 =	smul.u32 @!p0 $0xF7A, s2;
	p2 =	seq.s32 @!p0 s5, $0x0  }
0x1f: {  	s9 =	smul.u32 $0xF7A, s1;
	s8 =	simm.s32 @!p0 $0x1BF5;
	p2 =	por !p2, p0  }
0x20: {  	[sflag:s8] =	ssyncset.s32 @!p0 $0xFFFFF086;
	s6 =	sadd.s32 @!p0 s3, s7;
	s7 =	simm.s32 @!p0 $0x108  }
0x21: {  	s3 =	sadd.s32 s3, s9;
	s6 =	sadd.s32 @!p0 $0x88, s6;
	s7 =	simm.s32 @p2 $0x1082  }
0x22: {  	[simem:s7], [sflag:s8] =	dma.local @!p0 [hbm:s6], $0xF7A  }
0x23: {  	s9 =	sor.u32 $0xD0000000, s2;
	s6 =	simm.s32 $0x108;
	_ =	swait.ge @!p0 [sflag:s8], $0x0  }
0x24: {  	s3 =	sadd.s32 $0x88, s3;
	s6 =	simm.s32 @!p1 $0x1082;
	[sflag:s4] =	ssyncset.s32 $0xFFFFF086  }
0x25: {  	[simem:s6], [sflag:s4] =	dma.local [hbm:s3], $0xF7A  }
0x26: {  	[smem:$0x3F9A] =	sst s1;
	(tag) =	ssettag s2;
	_ =	strace s9  }
0x27: {  	s1 =	sld [smem:$0x3FAA]  }
0x28: {  	s2 =	sld [smem:$0x3FAB]  }
0x29: {  	s4 =	sld [smem:$0x3FAD]  }
0x2a: {  	p0 =	seq.s32 s5, $0x0;
	s5 =	sld [smem:$0x3FAE]  }
0x2b: {  	s6 =	sld [smem:$0x3FAF]  }
0x2c: {  	s7 =	sld [smem:$0x3FB0]  }
0x2d: {  	s3 =	simm.s32 $0x108;
	s8 =	sld [smem:$0x3FB1]  }
0x2e: {  	s3 =	simm.s32 @!p0 $0x1082;
	s9 =	sld [smem:$0x3FB2]  }
0x2f: {  	lr =	sadd.s32 s0, s3;
	s0 =	sld [smem:$0x3FA9]  }
0x30: {  	s3 =	sld [smem:$0x3FAC]  }
0x31: {  	[smem:$0x3FB5] =	sst s10  }
0x32: {  	s10 =	sld [smem:$0x3FB3];
	_ =	sdelay $0x3  }
0x33: {  	p0 =	seq.s32 s10, $0x1;
	s10 =	sld [smem:$0x3FB5];
	_ =	sdelay $0x3  }
0x34: {  	[smem:$0x3FB5] =	sst s10  }
0x35: {  	s10 =	sld [smem:$0x3FB4];
	_ =	sdelay $0x3  }
0x36: {  	p1 =	seq.s32 s10, $0x1;
	s10 =	sld [smem:$0x3FB5];
	_ =	sdelay $0x3  }
0x37: {  	[smem:$0x3FB5] =	sst s10  }
0x38: {  	s10 =	sld [smem:$0x3FB6]  }
0x39: {  	_ = 	snop;
	(pc) =	sbr.ind lr, $3  }
0x3a: {  	_ = 	snop  }
0x3b: {  	_ = 	snop  }
0x3c: {  	p2 =	seq.s32 s10, $0x1;
	s10 =	sld [smem:$0x3FB5]  }
0x3d: {  	_ =	shalt  }
0x3e: {  	_ =	shalt  }
0x3f: {  	_ =	shalt  }
0x40: {  	_ =	shalt  }
0x41: {  	_ =	shalt  }
0x42: {  	_ =	shalt  }
0x43: {  	_ =	shalt  }
0x44: {  	_ =	shalt  }
0x45: {  	_ =	shalt  }
0x46: {  	_ =	shalt  }
0x47: {  	_ =	shalt  }
0x48: {  	_ =	shalt  }
0x49: {  	_ =	shalt  }
0x4a: {  	_ =	shalt  }
0x4b: {  	_ =	shalt  }
0x4c: {  	_ =	shalt  }
0x4d: {  	_ =	shalt  }
0x4e: {  	_ =	shalt  }
0x4f: {  	_ =	shalt  }
0x50: {  	_ =	shalt  }
0x51: {  	_ =	shalt  }
0x52: {  	_ =	shalt  }
0x53: {  	_ =	shalt  }
0x54: {  	_ =	shalt  }
0x55: {  	_ =	shalt  }
0x56: {  	_ =	shalt  }
0x57: {  	_ =	shalt  }
0x58: {  	_ =	shalt  }
0x59: {  	_ =	shalt  }
0x5a: {  	_ =	shalt  }
0x5b: {  	_ =	shalt  }
0x5c: {  	_ =	shalt  }
0x5d: {  	_ =	shalt  }
0x5e: {  	_ =	shalt  }
0x5f: {  	_ =	shalt  }
0x60: {  	_ =	shalt  }
0x61: {  	_ =	shalt  }
0x62: {  	_ =	shalt  }
0x63: {  	_ =	shalt  }
0x64: {  	_ =	shalt  }
0x65: {  	_ =	shalt  }
0x66: {  	_ =	shalt  }
0x67: {  	_ =	shalt  }
0x68: {  	_ =	shalt  }
0x69: {  	_ =	shalt  }
0x6a: {  	_ =	shalt  }
0x6b: {  	_ =	shalt  }
0x6c: {  	_ =	shalt  }
0x6d: {  	_ =	shalt  }
0x6e: {  	_ =	shalt  }
0x6f: {  	_ =	shalt  }
0x70: {  	_ =	shalt  }
0x71: {  	_ =	shalt  }
0x72: {  	_ =	shalt  }
0x73: {  	_ =	shalt  }
0x74: {  	_ =	shalt  }
0x75: {  	_ =	shalt  }
0x76: {  	_ =	shalt  }
0x77: {  	_ =	shalt  }
0x78: {  	_ =	shalt  }
0x79: {  	_ =	shalt  }
0x7a: {  	_ =	shalt  }
0x7b: {  	_ =	shalt  }
0x7c: {  	_ =	shalt  }
0x7d: {  	_ =	shalt  }
0x7e: {  	_ =	shalt  }
0x7f: {  	_ =	shalt  }
0x80: {  	_ =	shalt  }
0x81: {  	_ =	shalt  }
0x82: {  	_ =	shalt  }
0x83: {  	_ =	shalt  }
0x84: {  	_ =	shalt  }
0x85: {  	_ =	shalt  }
0x86: {  	_ =	shalt  }
0x87: {  	_ =	shalt  }
.Lfunc_end0:
.L_simem_size_0:
called_computation.1_lowered:
.L_overlay_start_0:
0x88: {  	s2 =	sld [smem:$0x3FD9]  }
0x89: {  	s3 =	sld [smem:$0x3FFE];
	_ =	sdelay $0x1  }
0x8a: {  	s1 =	srdreg.scid  }
0x8b: {  	s0 =	sand.u32 $0x1, s1  }
0x8c: {  	s16 =	sshll.u32 s0, $0xA;
	s2 =	sadd.s32 s3, s2  }
0x8d: {  	s2 =	sadd.s32 s2, s16  }
0x8e: {  	[smem:$0x3FC1] =	sst s2  }
0x8f: {  	_ = 	snop  }
0x90: {  	(tm) =	ssettm $0x1  }
0x91: {  	s17 =	sld [smem:$0x3FFB];
	_ =	sdelay $0x3  }
0x92: {  	_ =	strace s17  }
0x93: {  	s2 =	sld [smem:$0x3FFC];
	_ =	sdelay $0x3  }
0x94: {  	_ =	strace s2  }
0x95: {  	s2 =	sld [smem:$0x3FFD];
	_ =	sdelay $0x3  }
0x96: {  	_ =	strace s2  }
0x97: {  	_ =	strace $0x8FFFFFFF  }
0x98: {  	s18 =	sld [smem:$0x3FDB];
	_ =	sdelay $0x1  }
0x99: {  	s19 =	simm.s32 $_scs_section_size  }
0x9a: {  	s4 =	simm.s32 $_size__tile_overlayer_lowered;
	s5 =	simm.s32 $_tile_overlayer_lowered  }
0x9b: {  	s22 =	simm.s32 $0x1BFF;
	s21 =	sshll.u32 s5, $0x1;
	s2 =	sadd.s32 s19, s18  }
0x9c: {  	s6 =	simm.s32 $0x0;
	s20 =	sshll.u32 s4, $0x1;
	s4 =	sadd.s32 s21, s2  }
0x9d: {  	[timem:s6], [sflag:s22] =	dma.local [hbm:s4], s20  }
0x9e: {  	_ =	swait.ge [sflag:s22], s20  }
0x9f: {  	s3 =	ssub.s32 $0x0, s20;
	[sflag:s22] =	ssyncset.done $0x0  }
0xa0: {  	[sflag:s22] =	ssyncadd.s32 s3;
	_ =	sdelay $0x1  }
0xa1: {  	s23 =	simm.s32 $0x1B8B  }
0xa2: {  	_ =	swait.ge [sflag:s23], $0x1  }
0xa3: {  	[sflag:s23] =	ssyncset.done $0x0  }
0xa4: {  	s25 =	simm.s32 $0x1B8E;
	s24 =	sld [smem:$0x3FFE];
	[sflag:s23] =	ssyncadd.s32 $0xFFFFFFFF  }
0xa5: {  	s26 =	simm.s32 $execute0_lowered;
	[smem:$0x3FD2] =	sst s25  }
0xa6: {  	s4 =	sshll.u32 s26, $0x1;
	_ =	strace $0x80000049;
	[dreg:$0x1] =	wrdreg $0xFFFFFFFF  }
0xa7: {  	s28 =	simm.s32 $_size_execute0_lowered;
	s2 =	sadd.s32 s2, s4;
	[dreg:$0x0] =	wrdreg $0x0  }
0xa8: {  	s4 =	sshll.u32 s28, $0x1;
	[dreg:$0x2] =	wrdreg s2  }
0xa9: {  	[dreg:$0x3] =	wrdreg s4  }
0xaa: {  	[dreg:$0x4] =	wrdreg $0xC0  }
0xab: {  	_ =	task [dreg:s6], $0x5FFFF  }
0xac: {  	[dreg:$0x1] =	wrdreg $0xFFFFFFFF  }
0xad: {  	[dreg:$0x0] =	wrdreg $0x60  }
0xae: {  	[dreg:$0x2] =	wrdreg s24  }
0xaf: {  	[dreg:$0x3] =	wrdreg $0x9  }
0xb0: {  	_ =	task.clear_ibuf [dreg:s6], $0x4FFFF;
	_ =	strace $0x90000049  }
0xb1: {  	s29 =	simm.s32 $0x9;
	_ =	strace $0x8000004B  }
0xb2: {  	_ =	swait.ge [sflag:s29], $0x1  }
0xb3: {  	[sflag:s29] =	ssyncadd.s32 $0xFFFFFFFF  }
0xb4: {  	_ =	strace $0x9000004B  }
0xb5: {  	_ =	sfence  }
0xb6: {  	s30 =	sld [smem:$0x0];
	_ =	sdelay $0x2  }
0xb7: {  	s31 =	sshll.u32 s1, $0xD;
	s1 =	sshrl.u32 s1, $0x2  }
0xb8: {  	s3 =	sand.u32 $0x4000, s31;
	s1 =	sadd.s32 s1, s30  }
0xb9: {  	s0 =	sor.u32 s3, s0;
	s1 =	sshll.u32 s1, $0x11  }
0xba: {  	s0 =	sor.u32 s1, s0  }
0xbb: {  	s0 =	sadd.s32 $0x8F2B, s0  }
0xbc: {  	[sflag:s0] =	ssyncadd.remote.s32 $0x1  }
0xbd: {  	_ =	sfence.sel $0xFFFF  }
0xbe: {  	[dreg:$0x0] =	wrdreg $0xFFFFFFFF;
	(pc) =	sbr.abs _section_cstart, $3  }
0xbf: {  	[dreg:$0x1] =	wrdreg $0xFFFFFFFF  }
0xc0: {  	_ =	task.clear_ibuf [dreg:s6], $0x2FFFF;
	_ =	strace $0x9FFFFFFF  }
0xc1: {  	(tm) =	ssettm $0x7FFFFFFF  }
tec
execute0_lowered:
.L_overlay_start_1:
0x0: {  	(tag) =	ssettag $0x1  }
0x1: {  	s0 =	rddreg [dreg:$0x0];
	s1 =	srdreg.scid  }
0x2: {  	s2 =	simm.s32 $0x0;
	s3 =	stileid.u32;
	s18 =	simm.s32 $0x1  }
0x3: {  	s20 =	simm.s32 $0x880;
	s21 =	simm.s32 $0x1080;
	s22 =	simm.s32 $0x1880  }
0x4: {  	s23 =	simm.s32 $0x2080;
	s28 =	simm.s32 $0x4080;
	s29 =	simm.s32 $0x4880  }
0x5: {  	s30 =	simm.s32 $0x5080;
	s31 =	simm.s32 $0x5880;
	s11 =	simm.s32 $0x7880  }
0x6: {  	s12 =	simm.s32 $0x8080;
	s13 =	simm.s32 $0x8880;
	s14 =	simm.s32 $0x9080  }
0x7: {  	s15 =	simm.s32 $0x9880;
	s16 =	simm.s32 $0xA080;
	s17 =	simm.s32 $0xA880  }
0x8: {  	s1 =	sand.u32 $0x1, s1;
	[smem:$0x7FF] =	sst s2;
	s3 =	sshll.u32 s3, $0x8  }
0x9: {  	s6 =	sadd.s32 $0x1400, s0;
	s8 =	sadd.s32 $0xA1600, s0;
	s4 =	sshll.u32 s1, $0x7  }
0xa: {  	_ =	strace $0x8000004A;
	s1 =	ssub.s32 $0x2, s1;
	s5 =	sor.u32 s4, s3  }
0xb: {  	s3 =	sadd.s32 $0x1600, s0;
	s7 =	sshrl.u32 s1, $0x1;
	s4 =	sshrl.u32 s5, $0x3  }
0xc: {  	s1 =	ssub.s32 s1, s7;
	s24 =	sshll.u32 s5, $0x7;
	s9 =	sor.u32 $0x40, s5  }
0xd: {  	s5 =	sadd.s32 $0x1800, s0;
	s4 =	sadd.s32 s6, s4;
	s7 =	sadd.s32 s8, s24  }
0xe: {  	s10 =	sshrl.u32 s9, $0x3;
	s9 =	sshll.u32 s9, $0x7;
	[dreg:$0x2] =	wrdreg s4  }
0xf: {  	s24 =	simm.s32 $0x2880;
	s4 =	sadd.s32 $0x1700, s0;
	[dreg:$0x3] =	wrdreg s7  }
0x10: {  	s25 =	sadd.s32 s6, s10;
	s6 =	sadd.s32 $0x1900, s0;
	s26 =	sadd.s32 s8, s9  }
0x11: {  	v2 =	vlaneseq.u32;
	s7 =	smax.u32 s1, $0x1;
	s8 =	simm.s32 $0x2;
	s0 =	simm.s32 $0x80  }
0x12: {  	vm0 =	vmmov $0xffff;
	v1 =	vshrl.u32 v2, $0x3;
	s10 =	simm.s32 $0x7080;
	s9 =	simm.s32 $0xB080;
	[dreg:$0x4] =	wrdreg s25  }
0x13: {  	v0 =	vand.u32 $0x7, v2;
	v2 =	vor.u32 $0x8, v2;
	v1 =	vmul.u32 $0x8, v1;
	[dreg:$0x5] =	wrdreg s26;
	s25 =	simm.s32 $0x3080;
	s26 =	simm.s32 $0x3880  }
.LBB2_1:
0x14: {  	s19 =	rddreg [dreg:$0x2]  }
0x15: {  	[tilespmem:s2], [sflag:$0x2] =	stream.linear.gather [hbm4b:s19+s2], $0x40, $0x38;
	[tilespmem:$0x10080] =	vst v63  }
0x16: {  	_ =	swait.ge [sflag:s8], $0x40  }
0x17: {  	[sflag:s8] =	ssyncset.done $0x0  }
0x18: {  	[sflag:s8] =	ssyncadd.s32 $0xFFFFFFC0  }
0x19: {  	v3 =	vld [tilespmem:$0x0];
	_ =	sdelay $0x4  }
0x1a: {  	v4 =	vshll.u32 v3, $0x3  }
0x1b: {  	v3 =	vand.u32 $0x7, v3;
	v4 =	vand.u32 $0xFFFFFFC0, v4  }
0x1c: {  	v3 =	vor.u32 v3, v4  }
0x1d: {  	v4 =	vperm.xlane v3, v0;
	_ =	sdelay $0x1  }
0x1e: {  	v4 =	vadd.s32 v1, v4;
	_ =	sdelay $0x4  }
0x1f: {  	[tilespmem:s0], [sflag:$0x1] =	stream.indirect_vreg.gather [hbm4b:s3+s2], $0x80, v4, vm0, $0xb8;
	[tilespmem:$0x10080] =	vst v63  }
0x20: {  	v3 =	vperm.xlane v3, v2  }
0x21: {  	[tilespmem:s20], [sflag:$0x1] =	stream.indirect_vreg.gather [hbm4b:s4+s2], $0x80, v4, vm0, $0xb8;
	[tilespmem:$0x10080] =	vst v63  }
0x22: {  	v3 =	vadd.s32 v1, v3  }
0x23: {  	[tilespmem:s21], [sflag:$0x1] =	stream.indirect_vreg.gather [hbm4b:s5+s2], $0x80, v4, vm0, $0xb8;
	[tilespmem:$0x10080] =	vst v63  }
0x24: {  	_ = 	snop  }
0x25: {  	[tilespmem:s22], [sflag:$0x1] =	stream.indirect_vreg.gather [hbm4b:s6+s2], $0x80, v4, vm0, $0xb8;
	[tilespmem:$0x10080] =	vst v63  }
0x26: {  	_ = 	snop  }
0x27: {  	[tilespmem:s23], [sflag:$0x1] =	stream.indirect_vreg.gather [hbm4b:s3+s2], $0x80, v3, vm0, $0xb8;
	[tilespmem:$0x10080] =	vst v63  }
0x28: {  	_ = 	snop  }
0x29: {  	[tilespmem:s24], [sflag:$0x1] =	stream.indirect_vreg.gather [hbm4b:s4+s2], $0x80, v3, vm0, $0xb8;
	[tilespmem:$0x10080] =	vst v63  }
0x2a: {  	_ = 	snop  }
0x2b: {  	[tilespmem:s25], [sflag:$0x1] =	stream.indirect_vreg.gather [hbm4b:s5+s2], $0x80, v3, vm0, $0xb8;
	[tilespmem:$0x10080] =	vst v63  }
0x2c: {  	_ = 	snop  }
0x2d: {  	[tilespmem:s26], [sflag:$0x1] =	stream.indirect_vreg.gather [hbm4b:s6+s2], $0x80, v3, vm0, $0xb8;
	[tilespmem:$0x10080] =	vst v63  }
0x2e: {  	v3 =	vld [tilespmem:$0x10];
	_ =	sdelay $0x4  }
0x2f: {  	v57 =	vshll.u32 v3, $0x3  }
0x30: {  	v3 =	vand.u32 $0x7, v3;
	v4 =	vand.u32 $0xFFFFFFC0, v57  }
0x31: {  	v3 =	vor.u32 v3, v4  }
0x32: {  	v4 =	vperm.xlane v3, v0;
	_ =	sdelay $0x1  }
0x33: {  	v4 =	vadd.s32 v1, v4;
	_ =	sdelay $0x4  }
0x34: {  	[tilespmem:s28], [sflag:$0x1] =	stream.indirect_vreg.gather [hbm4b:s3+s2], $0x80, v4, vm0, $0xb8;
	[tilespmem:$0x10080] =	vst v63  }
0x35: {  	v3 =	vperm.xlane v3, v2  }
0x36: {  	[tilespmem:s29], [sflag:$0x1] =	stream.indirect_vreg.gather [hbm4b:s4+s2], $0x80, v4, vm0, $0xb8;
	[tilespmem:$0x10080] =	vst v63  }
0x37: {  	v3 =	vadd.s32 v1, v3  }
0x38: {  	[tilespmem:s30], [sflag:$0x1] =	stream.indirect_vreg.gather [hbm4b:s5+s2], $0x80, v4, vm0, $0xb8;
	[tilespmem:$0x10080] =	vst v63  }
0x39: {  	_ = 	snop  }
0x3a: {  	[tilespmem:s31], [sflag:$0x1] =	stream.indirect_vreg.gather [hbm4b:s6+s2], $0x80, v4, vm0, $0xb8;
	[tilespmem:$0x10080] =	vst v63  }
0x3b: {  	s1 =	simm.s32 $0x6080  }
0x3c: {  	[tilespmem:s1], [sflag:$0x1] =	stream.indirect_vreg.gather [hbm4b:s3+s2], $0x80, v3, vm0, $0xb8;
	[tilespmem:$0x10080] =	vst v63  }
0x3d: {  	s1 =	simm.s32 $0x6880  }
0x3e: {  	[tilespmem:s1], [sflag:$0x1] =	stream.indirect_vreg.gather [hbm4b:s4+s2], $0x80, v3, vm0, $0xb8;
	[tilespmem:$0x10080] =	vst v63  }
0x3f: {  	_ = 	snop  }
0x40: {  	[tilespmem:s10], [sflag:$0x1] =	stream.indirect_vreg.gather [hbm4b:s5+s2], $0x80, v3, vm0, $0xb8;
	[tilespmem:$0x10080] =	vst v63  }
0x41: {  	_ = 	snop  }
0x42: {  	[tilespmem:s11], [sflag:$0x1] =	stream.indirect_vreg.gather [hbm4b:s6+s2], $0x80, v3, vm0, $0xb8;
	[tilespmem:$0x10080] =	vst v63  }
0x43: {  	v3 =	vld [tilespmem:$0x20];
	_ =	sdelay $0x4  }
0x44: {  	v58 =	vshll.u32 v3, $0x3  }
0x45: {  	v3 =	vand.u32 $0x7, v3;
	v4 =	vand.u32 $0xFFFFFFC0, v58  }
0x46: {  	v3 =	vor.u32 v3, v4  }
0x47: {  	v4 =	vperm.xlane v3, v0;
	_ =	sdelay $0x1  }
0x48: {  	v4 =	vadd.s32 v1, v4;
	_ =	sdelay $0x4  }
0x49: {  	[tilespmem:s12], [sflag:$0x1] =	stream.indirect_vreg.gather [hbm4b:s3+s2], $0x80, v4, vm0, $0xb8;
	[tilespmem:$0x10080] =	vst v63  }
0x4a: {  	v3 =	vperm.xlane v3, v2  }
0x4b: {  	[tilespmem:s13], [sflag:$0x1] =	stream.indirect_vreg.gather [hbm4b:s4+s2], $0x80, v4, vm0, $0xb8;
	[tilespmem:$0x10080] =	vst v63  }
0x4c: {  	v3 =	vadd.s32 v1, v3  }
0x4d: {  	[tilespmem:s14], [sflag:$0x1] =	stream.indirect_vreg.gather [hbm4b:s5+s2], $0x80, v4, vm0, $0xb8;
	[tilespmem:$0x10080] =	vst v63  }
0x4e: {  	_ = 	snop  }
0x4f: {  	[tilespmem:s15], [sflag:$0x1] =	stream.indirect_vreg.gather [hbm4b:s6+s2], $0x80, v4, vm0, $0xb8;
	[tilespmem:$0x10080] =	vst v63  }
0x50: {  	_ = 	snop  }
0x51: {  	[tilespmem:s16], [sflag:$0x1] =	stream.indirect_vreg.gather [hbm4b:s3+s2], $0x80, v3, vm0, $0xb8;
	[tilespmem:$0x10080] =	vst v63  }
0x52: {  	_ = 	snop  }
0x53: {  	[tilespmem:s17], [sflag:$0x1] =	stream.indirect_vreg.gather [hbm4b:s4+s2], $0x80, v3, vm0, $0xb8;
	[tilespmem:$0x10080] =	vst v63  }
0x54: {  	_ = 	snop  }
0x55: {  	[tilespmem:s9], [sflag:$0x1] =	stream.indirect_vreg.gather [hbm4b:s5+s2], $0x80, v3, vm0, $0xb8;
	[tilespmem:$0x10080] =	vst v63  }
0x56: {  	s19 =	simm.s32 $0xB880  }
0x57: {  	[tilespmem:s19], [sflag:$0x1] =	stream.indirect_vreg.gather [hbm4b:s6+s2], $0x80, v3, vm0, $0xb8;
	[tilespmem:$0x10080] =	vst v63  }
0x58: {  	v3 =	vld [tilespmem:$0x30];
	_ =	sdelay $0x4  }
0x59: {  	v59 =	vshll.u32 v3, $0x3  }
0x5a: {  	v3 =	vand.u32 $0x7, v3;
	v4 =	vand.u32 $0xFFFFFFC0, v59  }
0x5b: {  	v3 =	vor.u32 v3, v4  }
0x5c: {  	v4 =	vperm.xlane v3, v0;
	_ =	sdelay $0x1  }
0x5d: {  	v4 =	vadd.s32 v1, v4;
	_ =	sdelay $0x3  }
0x5e: {  	s19 =	simm.s32 $0xC080  }
0x5f: {  	[tilespmem:s19], [sflag:$0x1] =	stream.indirect_vreg.gather [hbm4b:s3+s2], $0x80, v4, vm0, $0xb8;
	[tilespmem:$0x10080] =	vst v63  }
0x60: {  	v3 =	vperm.xlane v3, v2;
	s19 =	simm.s32 $0xC880  }
0x61: {  	[tilespmem:s19], [sflag:$0x1] =	stream.indirect_vreg.gather [hbm4b:s4+s2], $0x80, v4, vm0, $0xb8;
	[tilespmem:$0x10080] =	vst v63  }
0x62: {  	v3 =	vadd.s32 v1, v3;
	s19 =	simm.s32 $0xD080  }
0x63: {  	[tilespmem:s19], [sflag:$0x1] =	stream.indirect_vreg.gather [hbm4b:s5+s2], $0x80, v4, vm0, $0xb8;
	[tilespmem:$0x10080] =	vst v63  }
0x64: {  	s19 =	simm.s32 $0xD880  }
0x65: {  	[tilespmem:s19], [sflag:$0x1] =	stream.indirect_vreg.gather [hbm4b:s6+s2], $0x80, v4, vm0, $0xb8;
	[tilespmem:$0x10080] =	vst v63  }
0x66: {  	s19 =	simm.s32 $0xE080  }
0x67: {  	[tilespmem:s19], [sflag:$0x1] =	stream.indirect_vreg.gather [hbm4b:s3+s2], $0x80, v3, vm0, $0xb8;
	[tilespmem:$0x10080] =	vst v63  }
0x68: {  	s19 =	simm.s32 $0xE880  }
0x69: {  	[tilespmem:s19], [sflag:$0x1] =	stream.indirect_vreg.gather [hbm4b:s4+s2], $0x80, v3, vm0, $0xb8;
	[tilespmem:$0x10080] =	vst v63  }
0x6a: {  	s19 =	simm.s32 $0xF080  }
0x6b: {  	[tilespmem:s19], [sflag:$0x1] =	stream.indirect_vreg.gather [hbm4b:s5+s2], $0x80, v3, vm0, $0xb8;
	[tilespmem:$0x10080] =	vst v63  }
0x6c: {  	s19 =	simm.s32 $0xF880  }
0x6d: {  	[tilespmem:s19], [sflag:$0x1] =	stream.indirect_vreg.gather [hbm4b:s6+s2], $0x80, v3, vm0, $0xb8;
	[tilespmem:$0x10080] =	vst v63  }
0x6e: {  	_ =	swait.ge [sflag:s18], $0x10000  }
0x6f: {  	[sflag:s18] =	ssyncset.done $0x0  }
0x70: {  	s19 =	rddreg [dreg:$0x3];
	[sflag:s18] =	ssyncadd.s32 $0xFFFF0000  }
0x71: {  	[hbm4b:s19+s2] =	stream.linear.scatter [tilespmem:s0], [sflag:$0x2], $0x10000, $0x38;
	[tilespmem:$0x10080] =	vst v63  }
0x72: {  	_ =	swait.ge [sflag:s8], $0x10000  }
0x73: {  	[sflag:s8] =	ssyncset.done $0x0  }
0x74: {  	s19 =	rddreg [dreg:$0x4];
	[sflag:s8] =	ssyncadd.s32 $0xFFFF0000  }
0x75: {  	[tilespmem:s2], [sflag:$0x2] =	stream.linear.gather [hbm4b:s19+s2], $0x40, $0x38;
	[tilespmem:$0x10080] =	vst v63  }
0x76: {  	_ =	swait.ge [sflag:s8], $0x40  }
0x77: {  	[sflag:s8] =	ssyncset.done $0x0  }
0x78: {  	[sflag:s8] =	ssyncadd.s32 $0xFFFFFFC0  }
0x79: {  	v3 =	vld [tilespmem:$0x0];
	_ =	sdelay $0x4  }
0x7a: {  	v60 =	vshll.u32 v3, $0x3  }
0x7b: {  	v3 =	vand.u32 $0x7, v3;
	v4 =	vand.u32 $0xFFFFFFC0, v60  }
0x7c: {  	v3 =	vor.u32 v3, v4  }
0x7d: {  	v4 =	vperm.xlane v3, v0;
	_ =	sdelay $0x1  }
0x7e: {  	v4 =	vadd.s32 v1, v4;
	_ =	sdelay $0x4  }
0x7f: {  	[tilespmem:s0], [sflag:$0x1] =	stream.indirect_vreg.gather [hbm4b:s3+s2], $0x80, v4, vm0, $0xb8;
	[tilespmem:$0x10080] =	vst v63  }
0x80: {  	v3 =	vperm.xlane v3, v2  }
0x81: {  	[tilespmem:s20], [sflag:$0x1] =	stream.indirect_vreg.gather [hbm4b:s4+s2], $0x80, v4, vm0, $0xb8;
	[tilespmem:$0x10080] =	vst v63  }
0x82: {  	v3 =	vadd.s32 v1, v3  }
0x83: {  	[tilespmem:s21], [sflag:$0x1] =	stream.indirect_vreg.gather [hbm4b:s5+s2], $0x80, v4, vm0, $0xb8;
	[tilespmem:$0x10080] =	vst v63  }
0x84: {  	_ = 	snop  }
0x85: {  	[tilespmem:s22], [sflag:$0x1] =	stream.indirect_vreg.gather [hbm4b:s6+s2], $0x80, v4, vm0, $0xb8;
	[tilespmem:$0x10080] =	vst v63  }
0x86: {  	_ = 	snop  }
0x87: {  	[tilespmem:s23], [sflag:$0x1] =	stream.indirect_vreg.gather [hbm4b:s3+s2], $0x80, v3, vm0, $0xb8;
	[tilespmem:$0x10080] =	vst v63  }
0x88: {  	_ = 	snop  }
0x89: {  	[tilespmem:s24], [sflag:$0x1] =	stream.indirect_vreg.gather [hbm4b:s4+s2], $0x80, v3, vm0, $0xb8;
	[tilespmem:$0x10080] =	vst v63  }
0x8a: {  	_ = 	snop  }
0x8b: {  	[tilespmem:s25], [sflag:$0x1] =	stream.indirect_vreg.gather [hbm4b:s5+s2], $0x80, v3, vm0, $0xb8;
	[tilespmem:$0x10080] =	vst v63  }
0x8c: {  	_ = 	snop  }
0x8d: {  	[tilespmem:s26], [sflag:$0x1] =	stream.indirect_vreg.gather [hbm4b:s6+s2], $0x80, v3, vm0, $0xb8;
	[tilespmem:$0x10080] =	vst v63  }
0x8e: {  	v3 =	vld [tilespmem:$0x10];
	_ =	sdelay $0x4  }
0x8f: {  	v61 =	vshll.u32 v3, $0x3  }
0x90: {  	v3 =	vand.u32 $0x7, v3;
	v4 =	vand.u32 $0xFFFFFFC0, v61  }
0x91: {  	v3 =	vor.u32 v3, v4  }
0x92: {  	v4 =	vperm.xlane v3, v0;
	_ =	sdelay $0x1  }
0x93: {  	v4 =	vadd.s32 v1, v4;
	_ =	sdelay $0x4  }
0x94: {  	[tilespmem:s28], [sflag:$0x1] =	stream.indirect_vreg.gather [hbm4b:s3+s2], $0x80, v4, vm0, $0xb8;
	[tilespmem:$0x10080] =	vst v63  }
0x95: {  	v3 =	vperm.xlane v3, v2  }
0x96: {  	[tilespmem:s29], [sflag:$0x1] =	stream.indirect_vreg.gather [hbm4b:s4+s2], $0x80, v4, vm0, $0xb8;
	[tilespmem:$0x10080] =	vst v63  }
0x97: {  	v3 =	vadd.s32 v1, v3  }
0x98: {  	[tilespmem:s30], [sflag:$0x1] =	stream.indirect_vreg.gather [hbm4b:s5+s2], $0x80, v4, vm0, $0xb8;
	[tilespmem:$0x10080] =	vst v63  }
0x99: {  	_ = 	snop  }
0x9a: {  	[tilespmem:s31], [sflag:$0x1] =	stream.indirect_vreg.gather [hbm4b:s6+s2], $0x80, v4, vm0, $0xb8;
	[tilespmem:$0x10080] =	vst v63  }
0x9b: {  	s19 =	simm.s32 $0x6080  }
0x9c: {  	[tilespmem:s19], [sflag:$0x1] =	stream.indirect_vreg.gather [hbm4b:s3+s2], $0x80, v3, vm0, $0xb8;
	[tilespmem:$0x10080] =	vst v63  }
0x9d: {  	_ = 	snop  }
0x9e: {  	[tilespmem:s1], [sflag:$0x1] =	stream.indirect_vreg.gather [hbm4b:s4+s2], $0x80, v3, vm0, $0xb8;
	[tilespmem:$0x10080] =	vst v63  }
0x9f: {  	_ = 	snop  }
0xa0: {  	[tilespmem:s10], [sflag:$0x1] =	stream.indirect_vreg.gather [hbm4b:s5+s2], $0x80, v3, vm0, $0xb8;
	[tilespmem:$0x10080] =	vst v63  }
0xa1: {  	_ = 	snop  }
0xa2: {  	[tilespmem:s11], [sflag:$0x1] =	stream.indirect_vreg.gather [hbm4b:s6+s2], $0x80, v3, vm0, $0xb8;
	[tilespmem:$0x10080] =	vst v63  }
0xa3: {  	v3 =	vld [tilespmem:$0x20];
	_ =	sdelay $0x4  }
0xa4: {  	v62 =	vshll.u32 v3, $0x3  }
0xa5: {  	v3 =	vand.u32 $0x7, v3;
	v4 =	vand.u32 $0xFFFFFFC0, v62  }
0xa6: {  	v3 =	vor.u32 v3, v4  }
0xa7: {  	v4 =	vperm.xlane v3, v0;
	_ =	sdelay $0x1  }
0xa8: {  	v4 =	vadd.s32 v1, v4;
	_ =	sdelay $0x4  }
0xa9: {  	[tilespmem:s12], [sflag:$0x1] =	stream.indirect_vreg.gather [hbm4b:s3+s2], $0x80, v4, vm0, $0xb8;
	[tilespmem:$0x10080] =	vst v63  }
0xaa: {  	v3 =	vperm.xlane v3, v2  }
0xab: {  	[tilespmem:s13], [sflag:$0x1] =	stream.indirect_vreg.gather [hbm4b:s4+s2], $0x80, v4, vm0, $0xb8;
	[tilespmem:$0x10080] =	vst v63  }
0xac: {  	v3 =	vadd.s32 v1, v3  }
0xad: {  	[tilespmem:s14], [sflag:$0x1] =	stream.indirect_vreg.gather [hbm4b:s5+s2], $0x80, v4, vm0, $0xb8;
	[tilespmem:$0x10080] =	vst v63  }
0xae: {  	_ = 	snop  }
0xaf: {  	[tilespmem:s15], [sflag:$0x1] =	stream.indirect_vreg.gather [hbm4b:s6+s2], $0x80, v4, vm0, $0xb8;
	[tilespmem:$0x10080] =	vst v63  }
0xb0: {  	_ = 	snop  }
0xb1: {  	[tilespmem:s16], [sflag:$0x1] =	stream.indirect_vreg.gather [hbm4b:s3+s2], $0x80, v3, vm0, $0xb8;
	[tilespmem:$0x10080] =	vst v63  }
0xb2: {  	_ = 	snop  }
0xb3: {  	[tilespmem:s17], [sflag:$0x1] =	stream.indirect_vreg.gather [hbm4b:s4+s2], $0x80, v3, vm0, $0xb8;
	[tilespmem:$0x10080] =	vst v63  }
0xb4: {  	_ = 	snop  }
0xb5: {  	[tilespmem:s9], [sflag:$0x1] =	stream.indirect_vreg.gather [hbm4b:s5+s2], $0x80, v3, vm0, $0xb8;
	[tilespmem:$0x10080] =	vst v63  }
0xb6: {  	s19 =	simm.s32 $0xB880  }
0xb7: {  	[tilespmem:s19], [sflag:$0x1] =	stream.indirect_vreg.gather [hbm4b:s6+s2], $0x80, v3, vm0, $0xb8;
	[tilespmem:$0x10080] =	vst v63  }
0xb8: {  	v3 =	vld [tilespmem:$0x30];
	_ =	sdelay $0x4  }
0xb9: {  	v63 =	vshll.u32 v3, $0x3  }
0xba: {  	v3 =	vand.u32 $0x7, v3;
	v4 =	vand.u32 $0xFFFFFFC0, v63  }
0xbb: {  	v3 =	vor.u32 v3, v4  }
0xbc: {  	v4 =	vperm.xlane v3, v0;
	_ =	sdelay $0x1  }
0xbd: {  	v4 =	vadd.s32 v1, v4;
	_ =	sdelay $0x3  }
0xbe: {  	s19 =	simm.s32 $0xC080  }
0xbf: {  	[tilespmem:s19], [sflag:$0x1] =	stream.indirect_vreg.gather [hbm4b:s3+s2], $0x80, v4, vm0, $0xb8;
	[tilespmem:$0x10080] =	vst v63  }
0xc0: {  	v3 =	vperm.xlane v3, v2;
	s19 =	simm.s32 $0xC880  }
0xc1: {  	[tilespmem:s19], [sflag:$0x1] =	stream.indirect_vreg.gather [hbm4b:s4+s2], $0x80, v4, vm0, $0xb8;
	[tilespmem:$0x10080] =	vst v63  }
0xc2: {  	v3 =	vadd.s32 v1, v3;
	s19 =	simm.s32 $0xD080  }
0xc3: {  	[tilespmem:s19], [sflag:$0x1] =	stream.indirect_vreg.gather [hbm4b:s5+s2], $0x80, v4, vm0, $0xb8;
	[tilespmem:$0x10080] =	vst v63  }
0xc4: {  	s19 =	simm.s32 $0xD880  }
0xc5: {  	[tilespmem:s19], [sflag:$0x1] =	stream.indirect_vreg.gather [hbm4b:s6+s2], $0x80, v4, vm0, $0xb8;
	[tilespmem:$0x10080] =	vst v63  }
0xc6: {  	s19 =	simm.s32 $0xE080  }
0xc7: {  	[tilespmem:s19], [sflag:$0x1] =	stream.indirect_vreg.gather [hbm4b:s3+s2], $0x80, v3, vm0, $0xb8;
	[tilespmem:$0x10080] =	vst v63  }
0xc8: {  	s19 =	simm.s32 $0xE880  }
0xc9: {  	[tilespmem:s19], [sflag:$0x1] =	stream.indirect_vreg.gather [hbm4b:s4+s2], $0x80, v3, vm0, $0xb8;
	[tilespmem:$0x10080] =	vst v63  }
0xca: {  	s19 =	simm.s32 $0xF080  }
0xcb: {  	[tilespmem:s19], [sflag:$0x1] =	stream.indirect_vreg.gather [hbm4b:s5+s2], $0x80, v3, vm0, $0xb8;
	[tilespmem:$0x10080] =	vst v63  }
0xcc: {  	s19 =	simm.s32 $0xF880  }
0xcd: {  	[tilespmem:s19], [sflag:$0x1] =	stream.indirect_vreg.gather [hbm4b:s6+s2], $0x80, v3, vm0, $0xb8;
	[tilespmem:$0x10080] =	vst v63  }
0xce: {  	_ =	swait.ge [sflag:s18], $0x10000  }
0xcf: {  	p0 =	sne.s32 s7, $0x1;
	[sflag:s18] =	ssyncset.done $0x0  }
.Ltmp0:
0xd0: {  	s1 =	rddreg [dreg:$0x5];
	[sflag:s18] =	ssyncadd.s32 $0xFFFF0000;
	(pc) =	sbr.rel @p0 .LBB2_1-.Ltmp0, $4  }
0xd1: {  	[hbm4b:s1+s2] =	stream.linear.scatter [tilespmem:s0], [sflag:$0x2], $0x10000, $0x38;
	[tilespmem:$0x10080] =	vst v63  }
0xd2: {  	_ =	swait.ge [sflag:s8], $0x10000  }
0xd3: {  	[sflag:s8] =	ssyncset.done $0x0  }
0xd4: {  	s7 =	sadd.s32 $0xFFFFFFFF, s7;
	[sflag:s8] =	ssyncadd.s32 $0xFFFF0000  }
0xd5: {  	_ =	sfence.sel $0x180000  }
0xd6: {  	[bflag:$0x0] =	sbarrier.arrive $0xFFFF  }
0xd7: {  	_ =	strace $0x9000004A  }
0xd8: {  	s0 =	stileid.u32;
	[bflag:$0x2] =	sbarrier.arrive $0xFFFF  }
0xd9: {  	p0 =	sne.s32 s0, $0x0;
	s0 =	rddreg [dreg:$0x1]  }
0xda: {  	s0 =	sadd.s32 @!p0 $0x100000, s0  }
0xdb: {  	[sflag:s0] =	ssyncadd.tile.s32 @!p0 $0x1;
	_ =	shalt  }
.Lfunc_end2:
_tile_overlayer_lowered:
.L_overlay_start_2:
0xdc: {  	(tag) =	ssettag $0x2  }
0xdd: {  	s0 =	rddreg [dreg:$0x0];
	s2 =	stileid.u32  }
0xde: {  	s1 =	rddreg [dreg:$0x1];
	p0 =	sne.s32 s2, $0x0  }
0xdf: {  	s3 =	rddreg [dreg:$0x2];
	[bflag:$0x3] =	sbarrier.arrive $0xFFFF;
	s2 =	simm.s32 @!p0 $0x1C02  }
0xe0: {  	[timem:s3], [sflag:s2] =	dma.local @!p0 [hbm:s0], s1  }
0xe1: {  	s0 =	simm.s32 @!p0 $0x2  }
0xe2: {  	_ =	swait.ge @!p0 [sflag:s0], s1  }
0xe3: {  	s1 =	ssub.s32 @!p0 $0x0, s1;
	[sflag:s0] =	ssyncset.done @!p0 $0x0  }
0xe4: {  	[sflag:s0] =	ssyncadd.s32 @!p0 s1  }
0xe5: {  	[bflag:$0x3] =	sbarrier.arrive $0xFFFF  }
0xe6: {  	_ =	shalt  }

// kernel: kernel.7.cloned.1.call-start
scs
__scs_entry_jumppad:
0x0: {  	(pc) =	sbr.rel $0x88, $3  }
0x1: {  	(tag) =	ssettag $0x0;
	lr =	simm.s32 $0x1  }
0x2: {  	[smem:$0x3F9A] =	sst lr;
	_ =	strace $0xD0000000  }
0x3: {  	_ = 	snop  }
0x4: {  	_ = 	snop  }
0x5: {  	_ = 	snop  }
0x6: {  	_ = 	snop  }
0x7: {  	_ = 	snop  }
__scs_overlays_trampoline_lowered:
0x8: {  	[smem:$0x3FA9] =	sst s0  }
0x9: {  	[smem:$0x3FAA] =	sst s1  }
0xa: {  	[smem:$0x3FAB] =	sst s2  }
0xb: {  	[smem:$0x3FAC] =	sst s3  }
0xc: {  	[smem:$0x3FAD] =	sst s4  }
0xd: {  	[smem:$0x3FAE] =	sst s5  }
0xe: {  	[smem:$0x3FAF] =	sst s6  }
0xf: {  	[smem:$0x3FB0] =	sst s7  }
0x10: {  	[smem:$0x3FB1] =	sst s8  }
0x11: {  	[smem:$0x3FB2] =	sst s9;
	s0 =	simm.s32 @!p0 $0x0  }
0x12: {  	s1 =	sld [smem:$0x3F98];
	s0 =	simm.s32 @p0 $0x1  }
0x13: {  	[smem:$0x3FB3] =	sst s0;
	s0 =	simm.s32 @!p1 $0x0  }
0x14: {  	s2 =	sld [smem:$0x3F97];
	s0 =	simm.s32 @p1 $0x1  }
0x15: {  	[smem:$0x3FB4] =	sst s0;
	s0 =	simm.s32 @!p2 $0x0  }
0x16: {  	s3 =	sld [smem:$0x3FDB];
	s0 =	simm.s32 @p2 $0x1  }
0x17: {  	s4 =	simm.s32 $0x1BF5;
	[smem:$0x3FB6] =	sst s0  }
0x18: {  	s0 =	sld [smem:$0x3F99];
	_ =	swait.ge [sflag:s4], $0x0  }
0x19: {  	s7 =	sld [smem:$0x3F9A]  }
0x1a: {  	s8 =	sadd.s32 $0xFFFFE003, lr  }
0x1b: {  	s9 =	sadd.s32 $0xFFFFFEF7, lr;
	s5 =	simm.s32 $0xFFFFFFFF;
	p2 =	slt.u32 s8, $0xFFFFF086  }
0x1c: {  	p1 =	slt.u32 s9, $0xF7A;
	s5 =	simm.s32 @!p2 $0x0  }
0x1d: {  	s5 =	simm.s32 @p1 $0x1;
	p0 =	seq.s32 s7, s2  }
0x1e: {  	s7 =	smul.u32 @!p0 $0xF7A, s2;
	p2 =	seq.s32 @!p0 s5, $0x0  }
0x1f: {  	s9 =	smul.u32 $0xF7A, s1;
	s8 =	simm.s32 @!p0 $0x1BF5;
	p2 =	por !p2, p0  }
0x20: {  	[sflag:s8] =	ssyncset.s32 @!p0 $0xFFFFF086;
	s6 =	sadd.s32 @!p0 s3, s7;
	s7 =	simm.s32 @!p0 $0x108  }
0x21: {  	s3 =	sadd.s32 s3, s9;
	s6 =	sadd.s32 @!p0 $0x88, s6;
	s7 =	simm.s32 @p2 $0x1082  }
0x22: {  	[simem:s7], [sflag:s8] =	dma.local @!p0 [hbm:s6], $0xF7A  }
0x23: {  	s9 =	sor.u32 $0xD0000000, s2;
	s6 =	simm.s32 $0x108;
	_ =	swait.ge @!p0 [sflag:s8], $0x0  }
0x24: {  	s3 =	sadd.s32 $0x88, s3;
	s6 =	simm.s32 @!p1 $0x1082;
	[sflag:s4] =	ssyncset.s32 $0xFFFFF086  }
0x25: {  	[simem:s6], [sflag:s4] =	dma.local [hbm:s3], $0xF7A  }
0x26: {  	[smem:$0x3F9A] =	sst s1;
	(tag) =	ssettag s2;
	_ =	strace s9  }
0x27: {  	s1 =	sld [smem:$0x3FAA]  }
0x28: {  	s2 =	sld [smem:$0x3FAB]  }
0x29: {  	s4 =	sld [smem:$0x3FAD]  }
0x2a: {  	p0 =	seq.s32 s5, $0x0;
	s5 =	sld [smem:$0x3FAE]  }
0x2b: {  	s6 =	sld [smem:$0x3FAF]  }
0x2c: {  	s7 =	sld [smem:$0x3FB0]  }
0x2d: {  	s3 =	simm.s32 $0x108;
	s8 =	sld [smem:$0x3FB1]  }
0x2e: {  	s3 =	simm.s32 @!p0 $0x1082;
	s9 =	sld [smem:$0x3FB2]  }
0x2f: {  	lr =	sadd.s32 s0, s3;
	s0 =	sld [smem:$0x3FA9]  }
0x30: {  	s3 =	sld [smem:$0x3FAC]  }
0x31: {  	[smem:$0x3FB5] =	sst s10  }
0x32: {  	s10 =	sld [smem:$0x3FB3];
	_ =	sdelay $0x3  }
0x33: {  	p0 =	seq.s32 s10, $0x1;
	s10 =	sld [smem:$0x3FB5];
	_ =	sdelay $0x3  }
0x34: {  	[smem:$0x3FB5] =	sst s10  }
0x35: {  	s10 =	sld [smem:$0x3FB4];
	_ =	sdelay $0x3  }
0x36: {  	p1 =	seq.s32 s10, $0x1;
	s10 =	sld [smem:$0x3FB5];
	_ =	sdelay $0x3  }
0x37: {  	[smem:$0x3FB5] =	sst s10  }
0x38: {  	s10 =	sld [smem:$0x3FB6]  }
0x39: {  	_ = 	snop;
	(pc) =	sbr.ind lr, $3  }
0x3a: {  	_ = 	snop  }
0x3b: {  	_ = 	snop  }
0x3c: {  	p2 =	seq.s32 s10, $0x1;
	s10 =	sld [smem:$0x3FB5]  }
0x3d: {  	_ =	shalt  }
0x3e: {  	_ =	shalt  }
0x3f: {  	_ =	shalt  }
0x40: {  	_ =	shalt  }
0x41: {  	_ =	shalt  }
0x42: {  	_ =	shalt  }
0x43: {  	_ =	shalt  }
0x44: {  	_ =	shalt  }
0x45: {  	_ =	shalt  }
0x46: {  	_ =	shalt  }
0x47: {  	_ =	shalt  }
0x48: {  	_ =	shalt  }
0x49: {  	_ =	shalt  }
0x4a: {  	_ =	shalt  }
0x4b: {  	_ =	shalt  }
0x4c: {  	_ =	shalt  }
0x4d: {  	_ =	shalt  }
0x4e: {  	_ =	shalt  }
0x4f: {  	_ =	shalt  }
0x50: {  	_ =	shalt  }
0x51: {  	_ =	shalt  }
0x52: {  	_ =	shalt  }
0x53: {  	_ =	shalt  }
0x54: {  	_ =	shalt  }
0x55: {  	_ =	shalt  }
0x56: {  	_ =	shalt  }
0x57: {  	_ =	shalt  }
0x58: {  	_ =	shalt  }
0x59: {  	_ =	shalt  }
0x5a: {  	_ =	shalt  }
0x5b: {  	_ =	shalt  }
0x5c: {  	_ =	shalt  }
0x5d: {  	_ =	shalt  }
0x5e: {  	_ =	shalt  }
0x5f: {  	_ =	shalt  }
0x60: {  	_ =	shalt  }
0x61: {  	_ =	shalt  }
0x62: {  	_ =	shalt  }
0x63: {  	_ =	shalt  }
0x64: {  	_ =	shalt  }
0x65: {  	_ =	shalt  }
0x66: {  	_ =	shalt  }
0x67: {  	_ =	shalt  }
0x68: {  	_ =	shalt  }
0x69: {  	_ =	shalt  }
0x6a: {  	_ =	shalt  }
0x6b: {  	_ =	shalt  }
0x6c: {  	_ =	shalt  }
0x6d: {  	_ =	shalt  }
0x6e: {  	_ =	shalt  }
0x6f: {  	_ =	shalt  }
0x70: {  	_ =	shalt  }
0x71: {  	_ =	shalt  }
0x72: {  	_ =	shalt  }
0x73: {  	_ =	shalt  }
0x74: {  	_ =	shalt  }
0x75: {  	_ =	shalt  }
0x76: {  	_ =	shalt  }
0x77: {  	_ =	shalt  }
0x78: {  	_ =	shalt  }
0x79: {  	_ =	shalt  }
0x7a: {  	_ =	shalt  }
0x7b: {  	_ =	shalt  }
0x7c: {  	_ =	shalt  }
0x7d: {  	_ =	shalt  }
0x7e: {  	_ =	shalt  }
0x7f: {  	_ =	shalt  }
0x80: {  	_ =	shalt  }
0x81: {  	_ =	shalt  }
0x82: {  	_ =	shalt  }
0x83: {  	_ =	shalt  }
0x84: {  	_ =	shalt  }
0x85: {  	_ =	shalt  }
0x86: {  	_ =	shalt  }
0x87: {  	_ =	shalt  }
.Lfunc_end0:
.L_simem_size_0:
called_computation_lowered:
.L_overlay_start_0:
0x88: {  	s2 =	sld [smem:$0x3FD9]  }
0x89: {  	s3 =	sld [smem:$0x3FFE];
	_ =	sdelay $0x1  }
0x8a: {  	s1 =	srdreg.scid  }
0x8b: {  	s0 =	sand.u32 $0x1, s1  }
0x8c: {  	s17 =	sshll.u32 s0, $0xA;
	s2 =	sadd.s32 s3, s2  }
0x8d: {  	s2 =	sadd.s32 s2, s17  }
0x8e: {  	[smem:$0x3FC1] =	sst s2  }
0x8f: {  	_ = 	snop  }
0x90: {  	s2 =	sld [smem:$0x3FC9]  }
0x91: {  	s18 =	sld [smem:$0x3FD0];
	(tm) =	ssettm $0x1  }
0x92: {  	s4 =	sld [smem:$0x3FFB];
	_ =	sdelay $0x3  }
0x93: {  	_ =	strace s4  }
0x94: {  	s4 =	sld [smem:$0x3FFC];
	_ =	sdelay $0x3  }
0x95: {  	_ =	strace s4  }
0x96: {  	s4 =	sld [smem:$0x3FFD];
	_ =	sdelay $0x3  }
0x97: {  	_ =	strace s4  }
0x98: {  	_ =	strace $0x8FFFFFFF  }
0x99: {  	s19 =	sld [smem:$0x3FDB];
	_ =	sdelay $0x1  }
0x9a: {  	s5 =	simm.s32 $_scs_section_size  }
0x9b: {  	s6 =	simm.s32 $_size__tile_overlayer_lowered;
	s7 =	simm.s32 $_tile_overlayer_lowered  }
0x9c: {  	s22 =	simm.s32 $0x1BFF;
	s21 =	sshll.u32 s7, $0x1;
	s4 =	sadd.s32 s5, s19  }
0x9d: {  	s8 =	simm.s32 $0x0;
	s20 =	sshll.u32 s6, $0x1;
	s6 =	sadd.s32 s21, s4  }
0x9e: {  	[timem:s8], [sflag:s22] =	dma.local [hbm:s6], s20  }
0x9f: {  	_ =	swait.ge [sflag:s22], s20  }
0xa0: {  	s5 =	ssub.s32 $0x0, s20;
	[sflag:s22] =	ssyncset.done $0x0  }
0xa1: {  	[sflag:s22] =	ssyncadd.s32 s5;
	_ =	sdelay $0x1  }
0xa2: {  	s23 =	simm.s32 $0x1B8B  }
0xa3: {  	_ =	swait.ge [sflag:s23], $0x1  }
0xa4: {  	[sflag:s23] =	ssyncset.done $0x0  }
0xa5: {  	s25 =	simm.s32 $0x1B8E;
	s24 =	sld [smem:$0x3FFE];
	[sflag:s23] =	ssyncadd.s32 $0xFFFFFFFF  }
0xa6: {  	s26 =	simm.s32 $execute0_lowered;
	[smem:$0x3FD2] =	sst s25  }
0xa7: {  	s6 =	sshll.u32 s26, $0x1;
	_ =	strace $0x80000046;
	[dreg:$0x1] =	wrdreg $0xFFFFFFFF  }
0xa8: {  	s28 =	simm.s32 $_size_execute0_lowered;
	s4 =	sadd.s32 s4, s6;
	[dreg:$0x0] =	wrdreg $0x0  }
0xa9: {  	s6 =	sshll.u32 s28, $0x1;
	[dreg:$0x2] =	wrdreg s4  }
0xaa: {  	[dreg:$0x3] =	wrdreg s6  }
0xab: {  	[dreg:$0x4] =	wrdreg $0xC0  }
0xac: {  	_ =	task [dreg:s8], $0x5FFFF  }
0xad: {  	[dreg:$0x1] =	wrdreg $0xFFFFFFFF  }
0xae: {  	[dreg:$0x0] =	wrdreg $0x60  }
0xaf: {  	[dreg:$0x2] =	wrdreg s2  }
0xb0: {  	[dreg:$0x3] =	wrdreg s18  }
0xb1: {  	[dreg:$0x4] =	wrdreg s24  }
0xb2: {  	[dreg:$0x5] =	wrdreg $0x9  }
0xb3: {  	_ =	task.clear_ibuf [dreg:s8], $0x6FFFF;
	_ =	strace $0x90000046  }
0xb4: {  	s29 =	simm.s32 $0x9;
	_ =	strace $0x80000048  }
0xb5: {  	_ =	swait.ge [sflag:s29], $0x1  }
0xb6: {  	[sflag:s29] =	ssyncadd.s32 $0xFFFFFFFF  }
0xb7: {  	_ =	strace $0x90000048  }
0xb8: {  	_ =	sfence  }
0xb9: {  	s30 =	sld [smem:$0x0];
	_ =	sdelay $0x2  }
0xba: {  	s31 =	sshll.u32 s1, $0xD;
	s1 =	sshrl.u32 s1, $0x2  }
0xbb: {  	s3 =	sand.u32 $0x4000, s31;
	s1 =	sadd.s32 s1, s30  }
0xbc: {  	s0 =	sor.u32 s3, s0;
	s1 =	sshll.u32 s1, $0x11  }
0xbd: {  	s0 =	sor.u32 s1, s0  }
0xbe: {  	s0 =	sadd.s32 $0x8F2B, s0  }
0xbf: {  	[sflag:s0] =	ssyncadd.remote.s32 $0x1  }
0xc0: {  	_ =	sfence.sel $0xFFFF  }
0xc1: {  	[dreg:$0x0] =	wrdreg $0xFFFFFFFF;
	(pc) =	sbr.abs _section_cstart, $3  }
0xc2: {  	[dreg:$0x1] =	wrdreg $0xFFFFFFFF  }
0xc3: {  	_ =	task.clear_ibuf [dreg:s8], $0x2FFFF;
	_ =	strace $0x9FFFFFFF  }
0xc4: {  	(tm) =	ssettm $0x7FFFFFFF  }
0xc5: {  	_ =	shalt  }
tec
execute0_lowered:
.L_overlay_start_1:
0x0: {  	(tag) =	ssettag $0x1  }
0x1: {  	s1 =	rddreg [dreg:$0x0]  }
0x2: {  	s0 =	rddreg [dreg:$0x1]  }
0x3: {  	s2 =	rddreg [dreg:$0x2];
	s3 =	simm.s32 $0x0;
	s4 =	srdreg.scid  }
0x4: {  	s5 =	stileid.u32;
	s12 =	simm.s32 $0x2;
	s26 =	simm.s32 $0x1  }
0x5: {  	[smem:$0x7FF] =	sst s3;
	s4 =	sand.u32 $0x1, s4;
	s5 =	sshll.u32 s5, $0x5  }
0x6: {  	s9 =	sadd.s32 $0x1400, s2;
	_ =	strace $0x80000047;
	s6 =	sshll.u32 s4, $0x4  }
0x7: {  	s7 =	ssub.s32 $0x2, s4;
	s4 =	sadd.s32 $0x1600, s2;
	s6 =	sor.u32 s6, s5  }
0x8: {  	s29 =	sshrl.u32 s7, $0x1;
	s5 =	sadd.s32 $0x100, s1;
	s8 =	sadd.s32 s0, s6  }
0x9: {  	s11 =	ssub.s32 s7, s29;
	s30 =	sadd.s32 s9, s6;
	s10 =	sor.u32 $0x8, s6  }
0xa: {  	s6 =	sadd.s32 $0x200, s1;
	s7 =	sadd.s32 $0x300, s1;
	[dreg:$0x4] =	wrdreg s8  }
0xb: {  	v2 =	vlaneseq.u32;
	[dreg:$0x5] =	wrdreg s30;
	s0 =	sadd.s32 s0, s10;
	s8 =	sadd.s32 $0x1700, s2  }
0xc: {  	vm0 =	vmmov $0xffff;
	v1 =	vshrl.u32 v2, $0x3;
	s31 =	sadd.s32 s9, s10;
	s9 =	sadd.s32 $0x1800, s2;
	[dreg:$0x6] =	wrdreg s0  }
0xd: {  	v0 =	vand.u32 $0x7, v2;
	v2 =	vor.u32 $0x8, v2;
	v1 =	vmul.u32 $0x8, v1;
	s10 =	sadd.s32 $0x1900, s2;
	s11 =	smax.u32 s11, $0x1;
	[dreg:$0x7] =	wrdreg s31  }
.LBB2_1:
0xe: {  	s28 =	rddreg [dreg:$0x4]  }
0xf: {  	[tilespmem:s3], [sflag:$0x2] =	stream.linear.gather [hbm4b:s28+s3], $0x40, $0x38;
	[tilespmem:$0x10100] =	vst v63  }
0x10: {  	_ =	swait.ge [sflag:s12], $0x40  }
0x11: {  	[sflag:s12] =	ssyncset.done $0x0  }
0x12: {  	s0 =	simm.s32 $0x80;
	s15 =	rddreg [dreg:$0x5];
	[sflag:s12] =	ssyncadd.s32 $0xFFFFFFC0  }
0x13: {  	[tilespmem:s0], [sflag:$0x2] =	stream.linear.gather [hbm4b:s15+s3], $0x40, $0x38;
	[tilespmem:$0x10100] =	vst v63  }
0x14: {  	_ =	swait.ge [sflag:s12], $0x40  }
0x15: {  	[sflag:s12] =	ssyncset.done $0x0  }
0x16: {  	[sflag:s12] =	ssyncadd.s32 $0xFFFFFFC0  }
0x17: {  	v3 =	vld [tilespmem:$0x0];
	_ =	sdelay $0x4  }
0x18: {  	v4 =	vshll.u32 v3, $0x3  }
0x19: {  	v3 =	vand.u32 $0x7, v3;
	v4 =	vand.u32 $0xFFFFFFC0, v4  }
0x1a: {  	v3 =	vor.u32 v3, v4  }
0x1b: {  	v4 =	vperm.xlane v3, v0;
	_ =	sdelay $0x1  }
0x1c: {  	v4 =	vadd.s32 v1, v4;
	_ =	sdelay $0x3  }
0x1d: {  	s16 =	simm.s32 $0x100  }
0x1e: {  	[tilespmem:s16], [sflag:$0x1] =	stream.indirect_vreg.gather [hbm4b:s1+s3], $0x80, v4, vm0, $0xb8;
	[tilespmem:$0x10100] =	vst v63  }
0x1f: {  	s17 =	simm.s32 $0x900;
	v3 =	vperm.xlane v3, v2  }
0x20: {  	[tilespmem:s17], [sflag:$0x1] =	stream.indirect_vreg.gather [hbm4b:s5+s3], $0x80, v4, vm0, $0xb8;
	[tilespmem:$0x10100] =	vst v63  }
0x21: {  	s18 =	simm.s32 $0x1100;
	v3 =	vadd.s32 v1, v3  }
0x22: {  	[tilespmem:s18], [sflag:$0x1] =	stream.indirect_vreg.gather [hbm4b:s6+s3], $0x80, v4, vm0, $0xb8;
	[tilespmem:$0x10100] =	vst v63  }
0x23: {  	s19 =	simm.s32 $0x1900  }
0x24: {  	[tilespmem:s19], [sflag:$0x1] =	stream.indirect_vreg.gather [hbm4b:s7+s3], $0x80, v4, vm0, $0xb8;
	[tilespmem:$0x10100] =	vst v63  }
0x25: {  	s20 =	simm.s32 $0x2100  }
0x26: {  	[tilespmem:s20], [sflag:$0x1] =	stream.indirect_vreg.gather [hbm4b:s1+s3], $0x80, v3, vm0, $0xb8;
	[tilespmem:$0x10100] =	vst v63  }
0x27: {  	s21 =	simm.s32 $0x2900  }
0x28: {  	[tilespmem:s21], [sflag:$0x1] =	stream.indirect_vreg.gather [hbm4b:s5+s3], $0x80, v3, vm0, $0xb8;
	[tilespmem:$0x10100] =	vst v63  }
0x29: {  	s22 =	simm.s32 $0x3100  }
0x2a: {  	[tilespmem:s22], [sflag:$0x1] =	stream.indirect_vreg.gather [hbm4b:s6+s3], $0x80, v3, vm0, $0xb8;
	[tilespmem:$0x10100] =	vst v63  }
0x2b: {  	s23 =	simm.s32 $0x3900  }
0x2c: {  	[tilespmem:s23], [sflag:$0x1] =	stream.indirect_vreg.gather [hbm4b:s7+s3], $0x80, v3, vm0, $0xb8;
	[tilespmem:$0x10100] =	vst v63  }
0x2d: {  	v3 =	vld [tilespmem:$0x10];
	_ =	sdelay $0x4  }
0x2e: {  	v49 =	vshll.u32 v3, $0x3  }
0x2f: {  	v3 =	vand.u32 $0x7, v3;
	v4 =	vand.u32 $0xFFFFFFC0, v49  }
0x30: {  	v3 =	vor.u32 v3, v4  }
0x31: {  	v4 =	vperm.xlane v3, v0;
	_ =	sdelay $0x1  }
0x32: {  	v4 =	vadd.s32 v1, v4;
	_ =	sdelay $0x3  }
0x33: {  	s24 =	simm.s32 $0x4100  }
0x34: {  	[tilespmem:s24], [sflag:$0x1] =	stream.indirect_vreg.gather [hbm4b:s1+s3], $0x80, v4, vm0, $0xb8;
	[tilespmem:$0x10100] =	vst v63  }
0x35: {  	s25 =	simm.s32 $0x4900;
	v3 =	vperm.xlane v3, v2  }
0x36: {  	[tilespmem:s25], [sflag:$0x1] =	stream.indirect_vreg.gather [hbm4b:s5+s3], $0x80, v4, vm0, $0xb8;
	[tilespmem:$0x10100] =	vst v63  }
0x37: {  	s28 =	simm.s32 $0x5100;
	v3 =	vadd.s32 v1, v3  }
0x38: {  	[tilespmem:s28], [sflag:$0x1] =	stream.indirect_vreg.gather [hbm4b:s6+s3], $0x80, v4, vm0, $0xb8;
	[tilespmem:$0x10100] =	vst v63  }
0x39: {  	s29 =	simm.s32 $0x5900  }
0x3a: {  	[tilespmem:s29], [sflag:$0x1] =	stream.indirect_vreg.gather [hbm4b:s7+s3], $0x80, v4, vm0, $0xb8;
	[tilespmem:$0x10100] =	vst v63  }
0x3b: {  	s30 =	simm.s32 $0x6100  }
0x3c: {  	[tilespmem:s30], [sflag:$0x1] =	stream.indirect_vreg.gather [hbm4b:s1+s3], $0x80, v3, vm0, $0xb8;
	[tilespmem:$0x10100] =	vst v63  }
0x3d: {  	s31 =	simm.s32 $0x6900  }
0x3e: {  	[tilespmem:s31], [sflag:$0x1] =	stream.indirect_vreg.gather [hbm4b:s5+s3], $0x80, v3, vm0, $0xb8;
	[tilespmem:$0x10100] =	vst v63  }
0x3f: {  	s14 =	simm.s32 $0x7100  }
0x40: {  	[tilespmem:s14], [sflag:$0x1] =	stream.indirect_vreg.gather [hbm4b:s6+s3], $0x80, v3, vm0, $0xb8;
	[tilespmem:$0x10100] =	vst v63  }
0x41: {  	s15 =	simm.s32 $0x7900  }
0x42: {  	[tilespmem:s15], [sflag:$0x1] =	stream.indirect_vreg.gather [hbm4b:s7+s3], $0x80, v3, vm0, $0xb8;
	[tilespmem:$0x10100] =	vst v63  }
0x43: {  	v3 =	vld [tilespmem:$0x20];
	_ =	sdelay $0x4  }
0x44: {  	v50 =	vshll.u32 v3, $0x3  }
0x45: {  	v3 =	vand.u32 $0x7, v3;
	v4 =	vand.u32 $0xFFFFFFC0, v50  }
0x46: {  	v3 =	vor.u32 v3, v4  }
0x47: {  	v4 =	vperm.xlane v3, v0;
	_ =	sdelay $0x1  }
0x48: {  	v4 =	vadd.s32 v1, v4;
	_ =	sdelay $0x3  }
0x49: {  	s19 =	simm.s32 $0x8100  }
0x4a: {  	[tilespmem:s19], [sflag:$0x1] =	stream.indirect_vreg.gather [hbm4b:s1+s3], $0x80, v4, vm0, $0xb8;
	[tilespmem:$0x10100] =	vst v63  }
0x4b: {  	s20 =	simm.s32 $0x8900;
	v3 =	vperm.xlane v3, v2  }
0x4c: {  	[tilespmem:s20], [sflag:$0x1] =	stream.indirect_vreg.gather [hbm4b:s5+s3], $0x80, v4, vm0, $0xb8;
	[tilespmem:$0x10100] =	vst v63  }
0x4d: {  	s21 =	simm.s32 $0x9100;
	v3 =	vadd.s32 v1, v3  }
0x4e: {  	[tilespmem:s21], [sflag:$0x1] =	stream.indirect_vreg.gather [hbm4b:s6+s3], $0x80, v4, vm0, $0xb8;
	[tilespmem:$0x10100] =	vst v63  }
0x4f: {  	s22 =	simm.s32 $0x9900  }
0x50: {  	[tilespmem:s22], [sflag:$0x1] =	stream.indirect_vreg.gather [hbm4b:s7+s3], $0x80, v4, vm0, $0xb8;
	[tilespmem:$0x10100] =	vst v63  }
0x51: {  	s23 =	simm.s32 $0xA100  }
0x52: {  	[tilespmem:s23], [sflag:$0x1] =	stream.indirect_vreg.gather [hbm4b:s1+s3], $0x80, v3, vm0, $0xb8;
	[tilespmem:$0x10100] =	vst v63  }
0x53: {  	s24 =	simm.s32 $0xA900  }
0x54: {  	[tilespmem:s24], [sflag:$0x1] =	stream.indirect_vreg.gather [hbm4b:s5+s3], $0x80, v3, vm0, $0xb8;
	[tilespmem:$0x10100] =	vst v63  }
0x55: {  	s25 =	simm.s32 $0xB100  }
0x56: {  	[tilespmem:s25], [sflag:$0x1] =	stream.indirect_vreg.gather [hbm4b:s6+s3], $0x80, v3, vm0, $0xb8;
	[tilespmem:$0x10100] =	vst v63  }
0x57: {  	s30 =	simm.s32 $0xB900  }
0x58: {  	[tilespmem:s30], [sflag:$0x1] =	stream.indirect_vreg.gather [hbm4b:s7+s3], $0x80, v3, vm0, $0xb8;
	[tilespmem:$0x10100] =	vst v63  }
0x59: {  	v3 =	vld [tilespmem:$0x30];
	_ =	sdelay $0x4  }
0x5a: {  	v51 =	vshll.u32 v3, $0x3  }
0x5b: {  	v3 =	vand.u32 $0x7, v3;
	v4 =	vand.u32 $0xFFFFFFC0, v51  }
0x5c: {  	v3 =	vor.u32 v3, v4  }
0x5d: {  	v4 =	vperm.xlane v3, v0;
	_ =	sdelay $0x1  }
0x5e: {  	v4 =	vadd.s32 v1, v4;
	_ =	sdelay $0x3  }
0x5f: {  	s31 =	simm.s32 $0xC100  }
0x60: {  	[tilespmem:s31], [sflag:$0x1] =	stream.indirect_vreg.gather [hbm4b:s1+s3], $0x80, v4, vm0, $0xb8;
	[tilespmem:$0x10100] =	vst v63  }
0x61: {  	s0 =	simm.s32 $0xC900;
	v3 =	vperm.xlane v3, v2  }
0x62: {  	[tilespmem:s0], [sflag:$0x1] =	stream.indirect_vreg.gather [hbm4b:s5+s3], $0x80, v4, vm0, $0xb8;
	[tilespmem:$0x10100] =	vst v63  }
0x63: {  	s14 =	simm.s32 $0xD100;
	v3 =	vadd.s32 v1, v3  }
0x64: {  	[tilespmem:s14], [sflag:$0x1] =	stream.indirect_vreg.gather [hbm4b:s6+s3], $0x80, v4, vm0, $0xb8;
	[tilespmem:$0x10100] =	vst v63  }
0x65: {  	s15 =	simm.s32 $0xD900  }
0x66: {  	[tilespmem:s15], [sflag:$0x1] =	stream.indirect_vreg.gather [hbm4b:s7+s3], $0x80, v4, vm0, $0xb8;
	[tilespmem:$0x10100] =	vst v63  }
0x67: {  	s19 =	simm.s32 $0xE100  }
0x68: {  	[tilespmem:s19], [sflag:$0x1] =	stream.indirect_vreg.gather [hbm4b:s1+s3], $0x80, v3, vm0, $0xb8;
	[tilespmem:$0x10100] =	vst v63  }
0x69: {  	s20 =	simm.s32 $0xE900  }
0x6a: {  	[tilespmem:s20], [sflag:$0x1] =	stream.indirect_vreg.gather [hbm4b:s5+s3], $0x80, v3, vm0, $0xb8;
	[tilespmem:$0x10100] =	vst v63  }
0x6b: {  	s21 =	simm.s32 $0xF100  }
0x6c: {  	[tilespmem:s21], [sflag:$0x1] =	stream.indirect_vreg.gather [hbm4b:s6+s3], $0x80, v3, vm0, $0xb8;
	[tilespmem:$0x10100] =	vst v63  }
0x6d: {  	s22 =	simm.s32 $0xF900  }
0x6e: {  	[tilespmem:s22], [sflag:$0x1] =	stream.indirect_vreg.gather [hbm4b:s7+s3], $0x80, v3, vm0, $0xb8;
	[tilespmem:$0x10100] =	vst v63  }
0x6f: {  	_ =	swait.ge [sflag:s26], $0x10000  }
0x70: {  	[sflag:s26] =	ssyncset.done $0x0  }
0x71: {  	[sflag:s26] =	ssyncadd.s32 $0xFFFF0000  }
0x72: {  	v3 =	vld [tilespmem:$0x80];
	_ =	sdelay $0x4  }
0x73: {  	v52 =	vshll.u32 v3, $0x3  }
0x74: {  	v3 =	vand.u32 $0x7, v3;
	v4 =	vand.u32 $0xFFFFFFC0, v52  }
0x75: {  	v3 =	vor.u32 v3, v4  }
0x76: {  	v4 =	vperm.xlane v3, v0;
	_ =	sdelay $0x1  }
0x77: {  	v4 =	vadd.s32 v1, v4;
	_ =	sdelay $0x3  }
0x78: {  	s2 =	simm.s32 $0x100  }
0x79: {  	[hbm4b:s4+s3] =	stream.indirect_vreg.scatter [tilespmem:s2], [sflag:$0x1], $0x80, v4, vm0, $0xb8;
	[tilespmem:$0x10100] =	vst v63  }
0x7a: {  	s13 =	simm.s32 $0x900;
	v3 =	vperm.xlane v3, v2  }
0x7b: {  	[hbm4b:s8+s3] =	stream.indirect_vreg.scatter [tilespmem:s13], [sflag:$0x1], $0x80, v4, vm0, $0xb8;
	[tilespmem:$0x10100] =	vst v63  }
0x7c: {  	s0 =	simm.s32 $0x1100;
	v3 =	vadd.s32 v1, v3  }
0x7d: {  	[hbm4b:s9+s3] =	stream.indirect_vreg.scatter [tilespmem:s0], [sflag:$0x1], $0x80, v4, vm0, $0xb8;
	[tilespmem:$0x10100] =	vst v63  }
0x7e: {  	s2 =	simm.s32 $0x1900  }
0x7f: {  	[hbm4b:s10+s3] =	stream.indirect_vreg.scatter [tilespmem:s2], [sflag:$0x1], $0x80, v4, vm0, $0xb8;
	[tilespmem:$0x10100] =	vst v63  }
0x80: {  	s13 =	simm.s32 $0x2100  }
0x81: {  	[hbm4b:s4+s3] =	stream.indirect_vreg.scatter [tilespmem:s13], [sflag:$0x1], $0x80, v3, vm0, $0xb8;
	[tilespmem:$0x10100] =	vst v63  }
0x82: {  	s14 =	simm.s32 $0x2900  }
0x83: {  	[hbm4b:s8+s3] =	stream.indirect_vreg.scatter [tilespmem:s14], [sflag:$0x1], $0x80, v3, vm0, $0xb8;
	[tilespmem:$0x10100] =	vst v63  }
0x84: {  	s15 =	simm.s32 $0x3100  }
0x85: {  	[hbm4b:s9+s3] =	stream.indirect_vreg.scatter [tilespmem:s15], [sflag:$0x1], $0x80, v3, vm0, $0xb8;
	[tilespmem:$0x10100] =	vst v63  }
0x86: {  	s16 =	simm.s32 $0x3900  }
0x87: {  	[hbm4b:s10+s3] =	stream.indirect_vreg.scatter [tilespmem:s16], [sflag:$0x1], $0x80, v3, vm0, $0xb8;
	[tilespmem:$0x10100] =	vst v63  }
0x88: {  	v3 =	vld [tilespmem:$0x90];
	_ =	sdelay $0x4  }
0x89: {  	v53 =	vshll.u32 v3, $0x3  }
0x8a: {  	v3 =	vand.u32 $0x7, v3;
	v4 =	vand.u32 $0xFFFFFFC0, v53  }
0x8b: {  	v3 =	vor.u32 v3, v4  }
0x8c: {  	v4 =	vperm.xlane v3, v0;
	_ =	sdelay $0x1  }
0x8d: {  	v4 =	vadd.s32 v1, v4;
	_ =	sdelay $0x3  }
0x8e: {  	s17 =	simm.s32 $0x4100  }
0x8f: {  	[hbm4b:s4+s3] =	stream.indirect_vreg.scatter [tilespmem:s17], [sflag:$0x1], $0x80, v4, vm0, $0xb8;
	[tilespmem:$0x10100] =	vst v63  }
0x90: {  	s18 =	simm.s32 $0x4900;
	v3 =	vperm.xlane v3, v2  }
0x91: {  	[hbm4b:s8+s3] =	stream.indirect_vreg.scatter [tilespmem:s18], [sflag:$0x1], $0x80, v4, vm0, $0xb8;
	[tilespmem:$0x10100] =	vst v63  }
0x92: {  	s16 =	simm.s32 $0x5100;
	v3 =	vadd.s32 v1, v3  }
0x93: {  	[hbm4b:s9+s3] =	stream.indirect_vreg.scatter [tilespmem:s16], [sflag:$0x1], $0x80, v4, vm0, $0xb8;
	[tilespmem:$0x10100] =	vst v63  }
0x94: {  	s17 =	simm.s32 $0x5900  }
0x95: {  	[hbm4b:s10+s3] =	stream.indirect_vreg.scatter [tilespmem:s17], [sflag:$0x1], $0x80, v4, vm0, $0xb8;
	[tilespmem:$0x10100] =	vst v63  }
0x96: {  	s18 =	simm.s32 $0x6100  }
0x97: {  	[hbm4b:s4+s3] =	stream.indirect_vreg.scatter [tilespmem:s18], [sflag:$0x1], $0x80, v3, vm0, $0xb8;
	[tilespmem:$0x10100] =	vst v63  }
0x98: {  	s19 =	simm.s32 $0x6900  }
0x99: {  	[hbm4b:s8+s3] =	stream.indirect_vreg.scatter [tilespmem:s19], [sflag:$0x1], $0x80, v3, vm0, $0xb8;
	[tilespmem:$0x10100] =	vst v63  }
0x9a: {  	s20 =	simm.s32 $0x7100  }
0x9b: {  	[hbm4b:s9+s3] =	stream.indirect_vreg.scatter [tilespmem:s20], [sflag:$0x1], $0x80, v3, vm0, $0xb8;
	[tilespmem:$0x10100] =	vst v63  }
0x9c: {  	s21 =	simm.s32 $0x7900  }
0x9d: {  	[hbm4b:s10+s3] =	stream.indirect_vreg.scatter [tilespmem:s21], [sflag:$0x1], $0x80, v3, vm0, $0xb8;
	[tilespmem:$0x10100] =	vst v63  }
0x9e: {  	v3 =	vld [tilespmem:$0xA0];
	_ =	sdelay $0x4  }
0x9f: {  	v54 =	vshll.u32 v3, $0x3  }
0xa0: {  	v3 =	vand.u32 $0x7, v3;
	v4 =	vand.u32 $0xFFFFFFC0, v54  }
0xa1: {  	v3 =	vor.u32 v3, v4  }
0xa2: {  	v4 =	vperm.xlane v3, v0;
	_ =	sdelay $0x1  }
0xa3: {  	v4 =	vadd.s32 v1, v4;
	_ =	sdelay $0x3  }
0xa4: {  	s22 =	simm.s32 $0x8100  }
0xa5: {  	[hbm4b:s4+s3] =	stream.indirect_vreg.scatter [tilespmem:s22], [sflag:$0x1], $0x80, v4, vm0, $0xb8;
	[tilespmem:$0x10100] =	vst v63  }
0xa6: {  	s29 =	simm.s32 $0x8900;
	v3 =	vperm.xlane v3, v2  }
0xa7: {  	[hbm4b:s8+s3] =	stream.indirect_vreg.scatter [tilespmem:s29], [sflag:$0x1], $0x80, v4, vm0, $0xb8;
	[tilespmem:$0x10100] =	vst v63  }
0xa8: {  	v3 =	vadd.s32 v1, v3;
	s29 =	simm.s32 $0x9100  }
0xa9: {  	[hbm4b:s9+s3] =	stream.indirect_vreg.scatter [tilespmem:s29], [sflag:$0x1], $0x80, v4, vm0, $0xb8;
	[tilespmem:$0x10100] =	vst v63  }
0xaa: {  	s29 =	simm.s32 $0x9900  }
0xab: {  	[hbm4b:s10+s3] =	stream.indirect_vreg.scatter [tilespmem:s29], [sflag:$0x1], $0x80, v4, vm0, $0xb8;
	[tilespmem:$0x10100] =	vst v63  }
0xac: {  	s29 =	simm.s32 $0xA100  }
0xad: {  	[hbm4b:s4+s3] =	stream.indirect_vreg.scatter [tilespmem:s29], [sflag:$0x1], $0x80, v3, vm0, $0xb8;
	[tilespmem:$0x10100] =	vst v63  }
0xae: {  	s29 =	simm.s32 $0xA900  }
0xaf: {  	[hbm4b:s8+s3] =	stream.indirect_vreg.scatter [tilespmem:s29], [sflag:$0x1], $0x80, v3, vm0, $0xb8;
	[tilespmem:$0x10100] =	vst v63  }
0xb0: {  	s29 =	simm.s32 $0xB100  }
0xb1: {  	[hbm4b:s9+s3] =	stream.indirect_vreg.scatter [tilespmem:s29], [sflag:$0x1], $0x80, v3, vm0, $0xb8;
	[tilespmem:$0x10100] =	vst v63  }
0xb2: {  	s24 =	simm.s32 $0xB900  }
0xb3: {  	[hbm4b:s10+s3] =	stream.indirect_vreg.scatter [tilespmem:s24], [sflag:$0x1], $0x80, v3, vm0, $0xb8;
	[tilespmem:$0x10100] =	vst v63  }
0xb4: {  	v3 =	vld [tilespmem:$0xB0];
	_ =	sdelay $0x4  }
0xb5: {  	v55 =	vshll.u32 v3, $0x3  }
0xb6: {  	v3 =	vand.u32 $0x7, v3;
	v4 =	vand.u32 $0xFFFFFFC0, v55  }
0xb7: {  	v3 =	vor.u32 v3, v4  }
0xb8: {  	v4 =	vperm.xlane v3, v0;
	_ =	sdelay $0x1  }
0xb9: {  	v4 =	vadd.s32 v1, v4;
	_ =	sdelay $0x3  }
0xba: {  	s25 =	simm.s32 $0xC100  }
0xbb: {  	[hbm4b:s4+s3] =	stream.indirect_vreg.scatter [tilespmem:s25], [sflag:$0x1], $0x80, v4, vm0, $0xb8;
	[tilespmem:$0x10100] =	vst v63  }
0xbc: {  	s23 =	simm.s32 $0xC900;
	v3 =	vperm.xlane v3, v2  }
0xbd: {  	[hbm4b:s8+s3] =	stream.indirect_vreg.scatter [tilespmem:s23], [sflag:$0x1], $0x80, v4, vm0, $0xb8;
	[tilespmem:$0x10100] =	vst v63  }
0xbe: {  	s29 =	simm.s32 $0xD100;
	v3 =	vadd.s32 v1, v3  }
0xbf: {  	[hbm4b:s9+s3] =	stream.indirect_vreg.scatter [tilespmem:s29], [sflag:$0x1], $0x80, v4, vm0, $0xb8;
	[tilespmem:$0x10100] =	vst v63  }
0xc0: {  	s30 =	simm.s32 $0xD900  }
0xc1: {  	[hbm4b:s10+s3] =	stream.indirect_vreg.scatter [tilespmem:s30], [sflag:$0x1], $0x80, v4, vm0, $0xb8;
	[tilespmem:$0x10100] =	vst v63  }
0xc2: {  	s31 =	simm.s32 $0xE100  }
0xc3: {  	[hbm4b:s4+s3] =	stream.indirect_vreg.scatter [tilespmem:s31], [sflag:$0x1], $0x80, v3, vm0, $0xb8;
	[tilespmem:$0x10100] =	vst v63  }
0xc4: {  	s30 =	simm.s32 $0xE900  }
0xc5: {  	[hbm4b:s8+s3] =	stream.indirect_vreg.scatter [tilespmem:s30], [sflag:$0x1], $0x80, v3, vm0, $0xb8;
	[tilespmem:$0x10100] =	vst v63  }
0xc6: {  	s31 =	simm.s32 $0xF100  }
0xc7: {  	[hbm4b:s9+s3] =	stream.indirect_vreg.scatter [tilespmem:s31], [sflag:$0x1], $0x80, v3, vm0, $0xb8;
	[tilespmem:$0x10100] =	vst v63  }
0xc8: {  	s28 =	simm.s32 $0xF900  }
0xc9: {  	[hbm4b:s10+s3] =	stream.indirect_vreg.scatter [tilespmem:s28], [sflag:$0x1], $0x80, v3, vm0, $0xb8;
	[tilespmem:$0x10100] =	vst v63  }
0xca: {  	_ =	swait.ge [sflag:s26], $0x10000  }
0xcb: {  	[sflag:s26] =	ssyncset.done $0x0  }
0xcc: {  	s24 =	rddreg [dreg:$0x6];
	[sflag:s26] =	ssyncadd.s32 $0xFFFF0000  }
0xcd: {  	[tilespmem:s3], [sflag:$0x2] =	stream.linear.gather [hbm4b:s24+s3], $0x40, $0x38;
	[tilespmem:$0x10100] =	vst v63  }
0xce: {  	_ =	swait.ge [sflag:s12], $0x40  }
0xcf: {  	[sflag:s12] =	ssyncset.done $0x0  }
0xd0: {  	s29 =	simm.s32 $0x80;
	s25 =	rddreg [dreg:$0x7];
	[sflag:s12] =	ssyncadd.s32 $0xFFFFFFC0  }
0xd1: {  	[tilespmem:s29], [sflag:$0x2] =	stream.linear.gather [hbm4b:s25+s3], $0x40, $0x38;
	[tilespmem:$0x10100] =	vst v63  }
0xd2: {  	_ =	swait.ge [sflag:s12], $0x40  }
0xd3: {  	[sflag:s12] =	ssyncset.done $0x0  }
0xd4: {  	[sflag:s12] =	ssyncadd.s32 $0xFFFFFFC0  }
0xd5: {  	v3 =	vld [tilespmem:$0x0];
	_ =	sdelay $0x4  }
0xd6: {  	v56 =	vshll.u32 v3, $0x3  }
0xd7: {  	v3 =	vand.u32 $0x7, v3;
	v4 =	vand.u32 $0xFFFFFFC0, v56  }
0xd8: {  	v3 =	vor.u32 v3, v4  }
0xd9: {  	v4 =	vperm.xlane v3, v0;
	_ =	sdelay $0x1  }
0xda: {  	v4 =	vadd.s32 v1, v4;
	_ =	sdelay $0x3  }
0xdb: {  	s30 =	simm.s32 $0x100  }
0xdc: {  	[tilespmem:s30], [sflag:$0x1] =	stream.indirect_vreg.gather [hbm4b:s1+s3], $0x80, v4, vm0, $0xb8;
	[tilespmem:$0x10100] =	vst v63  }
0xdd: {  	s31 =	simm.s32 $0x900;
	v3 =	vperm.xlane v3, v2  }
0xde: {  	[tilespmem:s31], [sflag:$0x1] =	stream.indirect_vreg.gather [hbm4b:s5+s3], $0x80, v4, vm0, $0xb8;
	[tilespmem:$0x10100] =	vst v63  }
0xdf: {  	v3 =	vadd.s32 v1, v3  }
0xe0: {  	[tilespmem:s0], [sflag:$0x1] =	stream.indirect_vreg.gather [hbm4b:s6+s3], $0x80, v4, vm0, $0xb8;
	[tilespmem:$0x10100] =	vst v63  }
0xe1: {  	_ = 	snop  }
0xe2: {  	[tilespmem:s2], [sflag:$0x1] =	stream.indirect_vreg.gather [hbm4b:s7+s3], $0x80, v4, vm0, $0xb8;
	[tilespmem:$0x10100] =	vst v63  }
0xe3: {  	_ = 	snop  }
0xe4: {  	[tilespmem:s13], [sflag:$0x1] =	stream.indirect_vreg.gather [hbm4b:s1+s3], $0x80, v3, vm0, $0xb8;
	[tilespmem:$0x10100] =	vst v63  }
0xe5: {  	_ = 	snop  }
0xe6: {  	[tilespmem:s14], [sflag:$0x1] =	stream.indirect_vreg.gather [hbm4b:s5+s3], $0x80, v3, vm0, $0xb8;
	[tilespmem:$0x10100] =	vst v63  }
0xe7: {  	_ = 	snop  }
0xe8: {  	[tilespmem:s15], [sflag:$0x1] =	stream.indirect_vreg.gather [hbm4b:s6+s3], $0x80, v3, vm0, $0xb8;
	[tilespmem:$0x10100] =	vst v63  }
0xe9: {  	s13 =	simm.s32 $0x3900  }
0xea: {  	[tilespmem:s13], [sflag:$0x1] =	stream.indirect_vreg.gather [hbm4b:s7+s3], $0x80, v3, vm0, $0xb8;
	[tilespmem:$0x10100] =	vst v63  }
0xeb: {  	v3 =	vld [tilespmem:$0x10];
	_ =	sdelay $0x4  }
0xec: {  	v57 =	vshll.u32 v3, $0x3  }
0xed: {  	v3 =	vand.u32 $0x7, v3;
	v4 =	vand.u32 $0xFFFFFFC0, v57  }
0xee: {  	v3 =	vor.u32 v3, v4  }
0xef: {  	v4 =	vperm.xlane v3, v0;
	_ =	sdelay $0x1  }
0xf0: {  	v4 =	vadd.s32 v1, v4;
	_ =	sdelay $0x3  }
0xf1: {  	s14 =	simm.s32 $0x4100  }
0xf2: {  	[tilespmem:s14], [sflag:$0x1] =	stream.indirect_vreg.gather [hbm4b:s1+s3], $0x80, v4, vm0, $0xb8;
	[tilespmem:$0x10100] =	vst v63  }
0xf3: {  	s15 =	simm.s32 $0x4900;
	v3 =	vperm.xlane v3, v2  }
0xf4: {  	[tilespmem:s15], [sflag:$0x1] =	stream.indirect_vreg.gather [hbm4b:s5+s3], $0x80, v4, vm0, $0xb8;
	[tilespmem:$0x10100] =	vst v63  }
0xf5: {  	v3 =	vadd.s32 v1, v3  }
0xf6: {  	[tilespmem:s16], [sflag:$0x1] =	stream.indirect_vreg.gather [hbm4b:s6+s3], $0x80, v4, vm0, $0xb8;
	[tilespmem:$0x10100] =	vst v63  }
0xf7: {  	_ = 	snop  }
0xf8: {  	[tilespmem:s17], [sflag:$0x1] =	stream.indirect_vreg.gather [hbm4b:s7+s3], $0x80, v4, vm0, $0xb8;
	[tilespmem:$0x10100] =	vst v63  }
0xf9: {  	_ = 	snop  }
0xfa: {  	[tilespmem:s18], [sflag:$0x1] =	stream.indirect_vreg.gather [hbm4b:s1+s3], $0x80, v3, vm0, $0xb8;
	[tilespmem:$0x10100] =	vst v63  }
0xfb: {  	_ = 	snop  }
0xfc: {  	[tilespmem:s19], [sflag:$0x1] =	stream.indirect_vreg.gather [hbm4b:s5+s3], $0x80, v3, vm0, $0xb8;
	[tilespmem:$0x10100] =	vst v63  }
0xfd: {  	_ = 	snop  }
0xfe: {  	[tilespmem:s20], [sflag:$0x1] =	stream.indirect_vreg.gather [hbm4b:s6+s3], $0x80, v3, vm0, $0xb8;
	[tilespmem:$0x10100] =	vst v63  }
0xff: {  	_ = 	snop  }
0x100: {  	[tilespmem:s21], [sflag:$0x1] =	stream.indirect_vreg.gather [hbm4b:s7+s3], $0x80, v3, vm0, $0xb8;
	[tilespmem:$0x10100] =	vst v63  }
0x101: {  	v3 =	vld [tilespmem:$0x20];
	_ =	sdelay $0x4  }
0x102: {  	v58 =	vshll.u32 v3, $0x3  }
0x103: {  	v3 =	vand.u32 $0x7, v3;
	v4 =	vand.u32 $0xFFFFFFC0, v58  }
0x104: {  	v3 =	vor.u32 v3, v4  }
0x105: {  	v4 =	vperm.xlane v3, v0;
	_ =	sdelay $0x1  }
0x106: {  	v4 =	vadd.s32 v1, v4;
	_ =	sdelay $0x4  }
0x107: {  	[tilespmem:s22], [sflag:$0x1] =	stream.indirect_vreg.gather [hbm4b:s1+s3], $0x80, v4, vm0, $0xb8;
	[tilespmem:$0x10100] =	vst v63  }
0x108: {  	s19 =	simm.s32 $0x8900;
	v3 =	vperm.xlane v3, v2  }
0x109: {  	[tilespmem:s19], [sflag:$0x1] =	stream.indirect_vreg.gather [hbm4b:s5+s3], $0x80, v4, vm0, $0xb8;
	[tilespmem:$0x10100] =	vst v63  }
0x10a: {  	s28 =	simm.s32 $0x9100;
	v3 =	vadd.s32 v1, v3  }
0x10b: {  	[tilespmem:s28], [sflag:$0x1] =	stream.indirect_vreg.gather [hbm4b:s6+s3], $0x80, v4, vm0, $0xb8;
	[tilespmem:$0x10100] =	vst v63  }
0x10c: {  	s20 =	simm.s32 $0x9900  }
0x10d: {  	[tilespmem:s20], [sflag:$0x1] =	stream.indirect_vreg.gather [hbm4b:s7+s3], $0x80, v4, vm0, $0xb8;
	[tilespmem:$0x10100] =	vst v63  }
0x10e: {  	s21 =	simm.s32 $0xA100  }
0x10f: {  	[tilespmem:s21], [sflag:$0x1] =	stream.indirect_vreg.gather [hbm4b:s1+s3], $0x80, v3, vm0, $0xb8;
	[tilespmem:$0x10100] =	vst v63  }
0x110: {  	s0 =	simm.s32 $0xA900  }
0x111: {  	[tilespmem:s0], [sflag:$0x1] =	stream.indirect_vreg.gather [hbm4b:s5+s3], $0x80, v3, vm0, $0xb8;
	[tilespmem:$0x10100] =	vst v63  }
0x112: {  	s2 =	simm.s32 $0xB100  }
0x113: {  	[tilespmem:s2], [sflag:$0x1] =	stream.indirect_vreg.gather [hbm4b:s6+s3], $0x80, v3, vm0, $0xb8;
	[tilespmem:$0x10100] =	vst v63  }
0x114: {  	s18 =	simm.s32 $0xB900  }
0x115: {  	[tilespmem:s18], [sflag:$0x1] =	stream.indirect_vreg.gather [hbm4b:s7+s3], $0x80, v3, vm0, $0xb8;
	[tilespmem:$0x10100] =	vst v63  }
0x116: {  	v3 =	vld [tilespmem:$0x30];
	_ =	sdelay $0x4  }
0x117: {  	v59 =	vshll.u32 v3, $0x3  }
0x118: {  	v3 =	vand.u32 $0x7, v3;
	v4 =	vand.u32 $0xFFFFFFC0, v59  }
0x119: {  	v3 =	vor.u32 v3, v4  }
0x11a: {  	v4 =	vperm.xlane v3, v0;
	_ =	sdelay $0x1  }
0x11b: {  	v4 =	vadd.s32 v1, v4;
	_ =	sdelay $0x3  }
0x11c: {  	s19 =	simm.s32 $0xC100  }
0x11d: {  	[tilespmem:s19], [sflag:$0x1] =	stream.indirect_vreg.gather [hbm4b:s1+s3], $0x80, v4, vm0, $0xb8;
	[tilespmem:$0x10100] =	vst v63  }
0x11e: {  	s20 =	simm.s32 $0xC900;
	v3 =	vperm.xlane v3, v2  }
0x11f: {  	[tilespmem:s20], [sflag:$0x1] =	stream.indirect_vreg.gather [hbm4b:s5+s3], $0x80, v4, vm0, $0xb8;
	[tilespmem:$0x10100] =	vst v63  }
0x120: {  	s13 =	simm.s32 $0xD100;
	v3 =	vadd.s32 v1, v3  }
0x121: {  	[tilespmem:s13], [sflag:$0x1] =	stream.indirect_vreg.gather [hbm4b:s6+s3], $0x80, v4, vm0, $0xb8;
	[tilespmem:$0x10100] =	vst v63  }
0x122: {  	s14 =	simm.s32 $0xD900  }
0x123: {  	[tilespmem:s14], [sflag:$0x1] =	stream.indirect_vreg.gather [hbm4b:s7+s3], $0x80, v4, vm0, $0xb8;
	[tilespmem:$0x10100] =	vst v63  }
0x124: {  	s15 =	simm.s32 $0xE100  }
0x125: {  	[tilespmem:s15], [sflag:$0x1] =	stream.indirect_vreg.gather [hbm4b:s1+s3], $0x80, v3, vm0, $0xb8;
	[tilespmem:$0x10100] =	vst v63  }
0x126: {  	s16 =	simm.s32 $0xE900  }
0x127: {  	[tilespmem:s16], [sflag:$0x1] =	stream.indirect_vreg.gather [hbm4b:s5+s3], $0x80, v3, vm0, $0xb8;
	[tilespmem:$0x10100] =	vst v63  }
0x128: {  	s17 =	simm.s32 $0xF100  }
0x129: {  	[tilespmem:s17], [sflag:$0x1] =	stream.indirect_vreg.gather [hbm4b:s6+s3], $0x80, v3, vm0, $0xb8;
	[tilespmem:$0x10100] =	vst v63  }
0x12a: {  	s21 =	simm.s32 $0xF900  }
0x12b: {  	[tilespmem:s21], [sflag:$0x1] =	stream.indirect_vreg.gather [hbm4b:s7+s3], $0x80, v3, vm0, $0xb8;
	[tilespmem:$0x10100] =	vst v63  }
0x12c: {  	_ =	swait.ge [sflag:s26], $0x10000  }
0x12d: {  	[sflag:s26] =	ssyncset.done $0x0  }
0x12e: {  	[sflag:s26] =	ssyncadd.s32 $0xFFFF0000  }
0x12f: {  	v3 =	vld [tilespmem:$0x80];
	_ =	sdelay $0x4  }
0x130: {  	v60 =	vshll.u32 v3, $0x3  }
0x131: {  	v3 =	vand.u32 $0x7, v3;
	v4 =	vand.u32 $0xFFFFFFC0, v60  }
0x132: {  	v3 =	vor.u32 v3, v4  }
0x133: {  	v4 =	vperm.xlane v3, v0;
	_ =	sdelay $0x1  }
0x134: {  	v4 =	vadd.s32 v1, v4;
	_ =	sdelay $0x3  }
0x135: {  	s22 =	simm.s32 $0x100  }
0x136: {  	[hbm4b:s4+s3] =	stream.indirect_vreg.scatter [tilespmem:s22], [sflag:$0x1], $0x80, v4, vm0, $0xb8;
	[tilespmem:$0x10100] =	vst v63  }
0x137: {  	v3 =	vperm.xlane v3, v2;
	s22 =	simm.s32 $0x900  }
0x138: {  	[hbm4b:s8+s3] =	stream.indirect_vreg.scatter [tilespmem:s22], [sflag:$0x1], $0x80, v4, vm0, $0xb8;
	[tilespmem:$0x10100] =	vst v63  }
0x139: {  	s24 =	simm.s32 $0x1100;
	v3 =	vadd.s32 v1, v3  }
0x13a: {  	[hbm4b:s9+s3] =	stream.indirect_vreg.scatter [tilespmem:s24], [sflag:$0x1], $0x80, v4, vm0, $0xb8;
	[tilespmem:$0x10100] =	vst v63  }
0x13b: {  	s25 =	simm.s32 $0x1900  }
0x13c: {  	[hbm4b:s10+s3] =	stream.indirect_vreg.scatter [tilespmem:s25], [sflag:$0x1], $0x80, v4, vm0, $0xb8;
	[tilespmem:$0x10100] =	vst v63  }
0x13d: {  	s30 =	simm.s32 $0x2100  }
0x13e: {  	[hbm4b:s4+s3] =	stream.indirect_vreg.scatter [tilespmem:s30], [sflag:$0x1], $0x80, v3, vm0, $0xb8;
	[tilespmem:$0x10100] =	vst v63  }
0x13f: {  	s31 =	simm.s32 $0x2900  }
0x140: {  	[hbm4b:s8+s3] =	stream.indirect_vreg.scatter [tilespmem:s31], [sflag:$0x1], $0x80, v3, vm0, $0xb8;
	[tilespmem:$0x10100] =	vst v63  }
0x141: {  	s22 =	simm.s32 $0x3100  }
0x142: {  	[hbm4b:s9+s3] =	stream.indirect_vreg.scatter [tilespmem:s22], [sflag:$0x1], $0x80, v3, vm0, $0xb8;
	[tilespmem:$0x10100] =	vst v63  }
0x143: {  	s25 =	simm.s32 $0x3900  }
0x144: {  	[hbm4b:s10+s3] =	stream.indirect_vreg.scatter [tilespmem:s25], [sflag:$0x1], $0x80, v3, vm0, $0xb8;
	[tilespmem:$0x10100] =	vst v63  }
0x145: {  	v3 =	vld [tilespmem:$0x90];
	_ =	sdelay $0x4  }
0x146: {  	v61 =	vshll.u32 v3, $0x3  }
0x147: {  	v3 =	vand.u32 $0x7, v3;
	v4 =	vand.u32 $0xFFFFFFC0, v61  }
0x148: {  	v3 =	vor.u32 v3, v4  }
0x149: {  	v4 =	vperm.xlane v3, v0;
	_ =	sdelay $0x1  }
0x14a: {  	v4 =	vadd.s32 v1, v4;
	_ =	sdelay $0x3  }
0x14b: {  	s30 =	simm.s32 $0x4100  }
0x14c: {  	[hbm4b:s4+s3] =	stream.indirect_vreg.scatter [tilespmem:s30], [sflag:$0x1], $0x80, v4, vm0, $0xb8;
	[tilespmem:$0x10100] =	vst v63  }
0x14d: {  	s31 =	simm.s32 $0x4900;
	v3 =	vperm.xlane v3, v2  }
0x14e: {  	[hbm4b:s8+s3] =	stream.indirect_vreg.scatter [tilespmem:s31], [sflag:$0x1], $0x80, v4, vm0, $0xb8;
	[tilespmem:$0x10100] =	vst v63  }
0x14f: {  	s22 =	simm.s32 $0x5100;
	v3 =	vadd.s32 v1, v3  }
0x150: {  	[hbm4b:s9+s3] =	stream.indirect_vreg.scatter [tilespmem:s22], [sflag:$0x1], $0x80, v4, vm0, $0xb8;
	[tilespmem:$0x10100] =	vst v63  }
0x151: {  	s25 =	simm.s32 $0x5900  }
0x152: {  	[hbm4b:s10+s3] =	stream.indirect_vreg.scatter [tilespmem:s25], [sflag:$0x1], $0x80, v4, vm0, $0xb8;
	[tilespmem:$0x10100] =	vst v63  }
0x153: {  	s30 =	simm.s32 $0x6100  }
0x154: {  	[hbm4b:s4+s3] =	stream.indirect_vreg.scatter [tilespmem:s30], [sflag:$0x1], $0x80, v3, vm0, $0xb8;
	[tilespmem:$0x10100] =	vst v63  }
0x155: {  	s31 =	simm.s32 $0x6900  }
0x156: {  	[hbm4b:s8+s3] =	stream.indirect_vreg.scatter [tilespmem:s31], [sflag:$0x1], $0x80, v3, vm0, $0xb8;
	[tilespmem:$0x10100] =	vst v63  }
0x157: {  	s22 =	simm.s32 $0x7100  }
0x158: {  	[hbm4b:s9+s3] =	stream.indirect_vreg.scatter [tilespmem:s22], [sflag:$0x1], $0x80, v3, vm0, $0xb8;
	[tilespmem:$0x10100] =	vst v63  }
0x159: {  	s25 =	simm.s32 $0x7900  }
0x15a: {  	[hbm4b:s10+s3] =	stream.indirect_vreg.scatter [tilespmem:s25], [sflag:$0x1], $0x80, v3, vm0, $0xb8;
	[tilespmem:$0x10100] =	vst v63  }
0x15b: {  	v3 =	vld [tilespmem:$0xA0];
	_ =	sdelay $0x4  }
0x15c: {  	v62 =	vshll.u32 v3, $0x3  }
0x15d: {  	v3 =	vand.u32 $0x7, v3;
	v4 =	vand.u32 $0xFFFFFFC0, v62  }
0x15e: {  	v3 =	vor.u32 v3, v4  }
0x15f: {  	v4 =	vperm.xlane v3, v0;
	_ =	sdelay $0x1  }
0x160: {  	v4 =	vadd.s32 v1, v4;
	_ =	sdelay $0x3  }
0x161: {  	s30 =	simm.s32 $0x8100  }
0x162: {  	[hbm4b:s4+s3] =	stream.indirect_vreg.scatter [tilespmem:s30], [sflag:$0x1], $0x80, v4, vm0, $0xb8;
	[tilespmem:$0x10100] =	vst v63  }
0x163: {  	s31 =	simm.s32 $0x8900;
	v3 =	vperm.xlane v3, v2  }
0x164: {  	[hbm4b:s8+s3] =	stream.indirect_vreg.scatter [tilespmem:s31], [sflag:$0x1], $0x80, v4, vm0, $0xb8;
	[tilespmem:$0x10100] =	vst v63  }
0x165: {  	v3 =	vadd.s32 v1, v3  }
0x166: {  	[hbm4b:s9+s3] =	stream.indirect_vreg.scatter [tilespmem:s28], [sflag:$0x1], $0x80, v4, vm0, $0xb8;
	[tilespmem:$0x10100] =	vst v63  }
0x167: {  	s29 =	simm.s32 $0x9900  }
0x168: {  	[hbm4b:s10+s3] =	stream.indirect_vreg.scatter [tilespmem:s29], [sflag:$0x1], $0x80, v4, vm0, $0xb8;
	[tilespmem:$0x10100] =	vst v63  }
0x169: {  	s23 =	simm.s32 $0xA100  }
0x16a: {  	[hbm4b:s4+s3] =	stream.indirect_vreg.scatter [tilespmem:s23], [sflag:$0x1], $0x80, v3, vm0, $0xb8;
	[tilespmem:$0x10100] =	vst v63  }
0x16b: {  	_ = 	snop  }
0x16c: {  	[hbm4b:s8+s3] =	stream.indirect_vreg.scatter [tilespmem:s0], [sflag:$0x1], $0x80, v3, vm0, $0xb8;
	[tilespmem:$0x10100] =	vst v63  }
0x16d: {  	_ = 	snop  }
0x16e: {  	[hbm4b:s9+s3] =	stream.indirect_vreg.scatter [tilespmem:s2], [sflag:$0x1], $0x80, v3, vm0, $0xb8;
	[tilespmem:$0x10100] =	vst v63  }
0x16f: {  	_ = 	snop  }
0x170: {  	[hbm4b:s10+s3] =	stream.indirect_vreg.scatter [tilespmem:s18], [sflag:$0x1], $0x80, v3, vm0, $0xb8;
	[tilespmem:$0x10100] =	vst v63  }
0x171: {  	v3 =	vld [tilespmem:$0xB0];
	_ =	sdelay $0x4  }
0x172: {  	v63 =	vshll.u32 v3, $0x3  }
0x173: {  	v3 =	vand.u32 $0x7, v3;
	v4 =	vand.u32 $0xFFFFFFC0, v63  }
0x174: {  	v3 =	vor.u32 v3, v4  }
0x175: {  	v4 =	vperm.xlane v3, v0;
	_ =	sdelay $0x1  }
0x176: {  	v4 =	vadd.s32 v1, v4;
	_ =	sdelay $0x4  }
0x177: {  	[hbm4b:s4+s3] =	stream.indirect_vreg.scatter [tilespmem:s19], [sflag:$0x1], $0x80, v4, vm0, $0xb8;
	[tilespmem:$0x10100] =	vst v63  }
0x178: {  	v3 =	vperm.xlane v3, v2  }
0x179: {  	[hbm4b:s8+s3] =	stream.indirect_vreg.scatter [tilespmem:s20], [sflag:$0x1], $0x80, v4, vm0, $0xb8;
	[tilespmem:$0x10100] =	vst v63  }
0x17a: {  	v3 =	vadd.s32 v1, v3  }
0x17b: {  	[hbm4b:s9+s3] =	stream.indirect_vreg.scatter [tilespmem:s13], [sflag:$0x1], $0x80, v4, vm0, $0xb8;
	[tilespmem:$0x10100] =	vst v63  }
0x17c: {  	_ = 	snop  }
0x17d: {  	[hbm4b:s10+s3] =	stream.indirect_vreg.scatter [tilespmem:s14], [sflag:$0x1], $0x80, v4, vm0, $0xb8;
	[tilespmem:$0x10100] =	vst v63  }
0x17e: {  	_ = 	snop  }
0x17f: {  	[hbm4b:s4+s3] =	stream.indirect_vreg.scatter [tilespmem:s15], [sflag:$0x1], $0x80, v3, vm0, $0xb8;
	[tilespmem:$0x10100] =	vst v63  }
0x180: {  	_ = 	snop  }
0x181: {  	[hbm4b:s8+s3] =	stream.indirect_vreg.scatter [tilespmem:s16], [sflag:$0x1], $0x80, v3, vm0, $0xb8;
	[tilespmem:$0x10100] =	vst v63  }
0x182: {  	p0 =	sne.s32 s11, $0x1  }
0x183: {  	[hbm4b:s9+s3] =	stream.indirect_vreg.scatter [tilespmem:s17], [sflag:$0x1], $0x80, v3, vm0, $0xb8;
	[tilespmem:$0x10100] =	vst v63  }
.Ltmp0:
0x184: {  	_ = 	snop;
	(pc) =	sbr.rel @p0 .LBB2_1-.Ltmp0, $4  }
0x185: {  	[hbm4b:s10+s3] =	stream.indirect_vreg.scatter [tilespmem:s21], [sflag:$0x1], $0x80, v3, vm0, $0xb8;
	[tilespmem:$0x10100] =	vst v63  }
0x186: {  	_ =	swait.ge [sflag:s26], $0x10000  }
0x187: {  	[sflag:s26] =	ssyncset.done $0x0  }
0x188: {  	s11 =	sadd.s32 $0xFFFFFFFF, s11;
	[sflag:s26] =	ssyncadd.s32 $0xFFFF0000  }
0x189: {  	_ =	sfence.sel $0x180000  }
0x18a: {  	[bflag:$0x0] =	sbarrier.arrive $0xFFFF  }
0x18b: {  	_ =	strace $0x90000047  }
0x18c: {  	s0 =	stileid.u32;
	[bflag:$0x2] =	sbarrier.arrive $0xFFFF  }
0x18d: {  	p0 =	sne.s32 s0, $0x0;
	s0 =	rddreg [dreg:$0x3]  }
0x18e: {  	s0 =	sadd.s32 @!p0 $0x100000, s0  }
0x18f: {  	[sflag:s0] =	ssyncadd.tile.s32 @!p0 $0x1;
	_ =	shalt  }
.Lfunc_end2:
_tile_overlayer_lowered:
.L_overlay_start_2:
0x190: {  	(tag) =	ssettag $0x2  }
0x191: {  	s0 =	rddreg [dreg:$0x0];
	s2 =	stileid.u32  }
0x192: {  	s1 =	rddreg [dreg:$0x1];
	p0 =	sne.s32 s2, $0x0  }
0x193: {  	s3 =	rddreg [dreg:$0x2];
	[bflag:$0x3] =	sbarrier.arrive $0xFFFF;
	s2 =	simm.s32 @!p0 $0x1C02  }
0x194: {  	[timem:s3], [sflag:s2] =	dma.local @!p0 [hbm:s0], s1  }
0x195: {  	s0 =	simm.s32 @!p0 $0x2  }
0x196: {  	_ =	swait.ge @!p0 [sflag:s0], s1  }
0x197: {  	s1 =	ssub.s32 @!p0 $0x0, s1;
	[sflag:s0] =	ssyncset.done @!p0 $0x0  }
0x198: {  	[sflag:s0] =	ssyncadd.s32 @!p0 s1  }
0x199: {  	[bflag:$0x3] =	sbarrier.arrive $0xFFFF  }
0x19a: {  	_ =	shalt  }

</sc_bundles>
